<compile_context>
chip_gen: v7x
topology: tpu7x:2x2x1
jax: 0.10.2.dev20260603
libtpu: 0.0.44.dev20260713+nightly
codegen_flags: <defaults>
</compile_context>

<pallas_src>
import functools

import jax
import jax.numpy as jnp
from jax import lax
from jax.experimental import pallas as pl
from jax.experimental.pallas import tpu as pltpu
from jax.experimental.pallas import tpu_sc as plsc

B = 8
H = 16
S = 2048
D = 128
ROWS = B * H * S
NW = 32
GROUPS_PER_W = (B * H) // NW
BPC = B // 2
L = 16
HB = 4


def _sc_body(pos_ref, kv_ref, vv_ref, kc_ref, vc_ref, ka_ref, va_ref,
             pos_v, sidx_v, didx_v, kstage_v, vstage_v, kw_v, vw_v, sem):
    c = lax.axis_index("c")
    s = lax.axis_index("s")
    w = c * 16 + s

    gathers = []
    for j in range(GROUPS_PER_W):
        g = (w * GROUPS_PER_W + j) * S
        gathers.append(pltpu.async_copy(kc_ref.at[pl.ds(g, L)],
                                        kstage_v.at[pl.ds(j * L, L)], sem))
        gathers.append(pltpu.async_copy(vc_ref.at[pl.ds(g, L)],
                                        vstage_v.at[pl.ds(j * L, L)], sem))
    for cp in gathers:
        cp.wait()
    r = w * GROUPS_PER_W * L
    ka = pltpu.async_copy(kstage_v, ka_ref.at[pl.ds(r, GROUPS_PER_W * L)], sem)
    va = pltpu.async_copy(vstage_v, va_ref.at[pl.ds(r, GROUPS_PER_W * L)], sem)
    ka.wait()
    va.wait()
    plsc.subcore_barrier()

    pltpu.sync_copy(pos_ref.at[c], pos_v)
    pv = pos_v[...]
    bl = c * BPC + lax.iota(jnp.int32, L) % BPC
    sidx_v[...] = bl * H + s
    didx_v[...] = (bl * H + pv - 1) * L + s
    kg = pltpu.async_copy(kv_ref.at[sidx_v], kw_v, sem)
    vg = pltpu.async_copy(vv_ref.at[sidx_v], vw_v, sem)
    kg.wait()
    vg.wait()
    ks = pltpu.async_copy(kw_v, ka_ref.at[didx_v], sem)
    vs = pltpu.async_copy(vw_v, va_ref.at[didx_v], sem)
    ks.wait()
    vs.wait()


def _tc_body(kc_ref, vc_ref, ka_ref, va_ref, ko_ref, vo_ref):
    ko_ref[...] = kc_ref[...]
    vo_ref[...] = vc_ref[...]
    ko_ref[0, :, 0:16, :] = ka_ref[0, :, :, :]
    vo_ref[0, :, 0:16, :] = va_ref[0, :, :, :]


def kernel(input_pos, k_val, v_val, k_cache, v_cache):
    posA = jnp.tile(input_pos.reshape(2, BPC), (1, L // BPC))
    kv2 = k_val.reshape(B * H, D)
    vv2 = v_val.reshape(B * H, D)
    kc2 = k_cache.reshape(ROWS, D)
    vc2 = v_cache.reshape(ROWS, D)

    mesh = plsc.VectorSubcoreMesh(core_axis_name="c", subcore_axis_name="s",
                                  num_cores=2)
    sc_run = functools.partial(
        pl.kernel,
        out_type=[
            jax.ShapeDtypeStruct((B * H * L, D), jnp.float32),
            jax.ShapeDtypeStruct((B * H * L, D), jnp.float32),
        ],
        mesh=mesh,
        scratch_types=[
            pltpu.VMEM((L,), jnp.int32),
            pltpu.VMEM((L,), jnp.int32),
            pltpu.VMEM((L,), jnp.int32),
            pltpu.VMEM((GROUPS_PER_W * L, D), jnp.float32),
            pltpu.VMEM((GROUPS_PER_W * L, D), jnp.float32),
            pltpu.VMEM((L, D), jnp.float32),
            pltpu.VMEM((L, D), jnp.float32),
            pltpu.SemaphoreType.DMA,
        ],
    )(_sc_body)
    ka2, va2 = sc_run(posA, kv2, vv2, kc2, vc2)
    ka = ka2.reshape(B, H, L, D)
    va = va2.reshape(B, H, L, D)

    k_out, v_out = pl.pallas_call(
        _tc_body,
        grid=(B, H // HB),
        in_specs=[
            pl.BlockSpec((1, HB, S, D), lambda b, h: (b, h, 0, 0)),
            pl.BlockSpec((1, HB, S, D), lambda b, h: (b, h, 0, 0)),
            pl.BlockSpec((1, HB, L, D), lambda b, h: (b, h, 0, 0)),
            pl.BlockSpec((1, HB, L, D), lambda b, h: (b, h, 0, 0)),
        ],
        out_specs=[
            pl.BlockSpec((1, HB, S, D), lambda b, h: (b, h, 0, 0)),
            pl.BlockSpec((1, HB, S, D), lambda b, h: (b, h, 0, 0)),
        ],
        out_shape=[
            jax.ShapeDtypeStruct((B, H, S, D), jnp.float32),
            jax.ShapeDtypeStruct((B, H, S, D), jnp.float32),
        ],
    )(k_cache, v_cache, ka, va)
    return (k_out, v_out)

# --- scband reference (transcript-rebuilt; emitter-appended) ---
"""Pipeline reference for scband-kvcache-6390911337260 (READ-ONLY COPY).

The authoritative reference and input builder live on the scoring server;
editing this copy changes nothing except your own understanding.
"""

import jax, jax.numpy as jnp
import numpy as np

B = 8
H_ATTR = 16      # n_heads init arg
S = 2048         # max_seq_length init arg
D = 128          # head_dim init arg


def setup_inputs(seed: int = 0) -> dict:
    key = jax.random.key(seed)
    k1, k2, k3 = jax.random.split(key, 3)
    # update() computes index = input_pos - 1 and scatters along dim 1 of the
    # (B, n_heads, max_seq, head_dim) cache, so valid input_pos values are [1, n_heads].
    input_pos = jax.random.randint(k1, (B,), 1, H_ATTR + 1, dtype=jnp.int32)
    k_val = jax.random.normal(k2, (B, 1, H_ATTR, D), dtype=jnp.float32)
    v_val = jax.random.normal(k3, (B, 1, H_ATTR, D), dtype=jnp.float32)
    # persistent=False registered buffers, initialized to zeros
    k_cache = jnp.zeros((B, H_ATTR, S, D), dtype=jnp.float32)
    v_cache = jnp.zeros((B, H_ATTR, S, D), dtype=jnp.float32)
    return {"input_pos": input_pos, "k_val": k_val, "v_val": v_val,
            "k_cache": k_cache, "v_cache": v_cache}


def reference(input_pos, k_val, v_val, k_cache, v_cache):
    # Faithful translation of KVCache.update:
    #   index = (input_pos - 1)[:, None, None, None].expand(-1, -1, num_heads, head_dim)
    #   k_cache.scatter_(1, index, k_val); v_cache.scatter_(1, index, v_val)
    # torch scatter_ along dim=1 semantics:
    #   out[b, index[b, j, h, d], h, d] = src[b, j, h, d]
    Bv, J, Hv, Dv = k_val.shape
    index = jnp.broadcast_to((input_pos - 1).reshape(Bv, 1, 1, 1), (Bv, J, Hv, Dv))
    b = jnp.arange(Bv).reshape(Bv, 1, 1, 1)
    h = jnp.arange(Hv).reshape(1, 1, Hv, 1)
    d = jnp.arange(Dv).reshape(1, 1, 1, Dv)
    k_out = k_cache.at[b, index, h, d].set(k_val)
    v_out = v_cache.at[b, index, h, d].set(v_val)
    return (k_out, v_out)

if __name__ == "__main__":
    import jax
    _d = setup_inputs()
    print(jax.jit(kernel)(*tuple(_d.values())))

</pallas_src>

<mosaic_0001>
#map = affine_map<(d0, d1) -> (0, 0)>
module attributes {stable_mosaic.version = 14 : i64} {
  func.func @_sc_body(%arg0: i32, %arg1: i32, %arg2: memref<2x16xi32, #tpu.memory_space<hbm>>, %arg3: memref<128x128xf32, #tpu.memory_space<hbm>>, %arg4: memref<128x128xf32, #tpu.memory_space<hbm>>, %arg5: memref<262144x128xf32, #tpu.memory_space<hbm>>, %arg6: memref<262144x128xf32, #tpu.memory_space<hbm>>, %arg7: memref<2048x128xf32, #tpu.memory_space<hbm>>, %arg8: memref<2048x128xf32, #tpu.memory_space<hbm>>, %arg9: memref<16xi32, #tpu.memory_space<vmem>>, %arg10: memref<16xi32, #tpu.memory_space<vmem>>, %arg11: memref<16xi32, #tpu.memory_space<vmem>>, %arg12: memref<64x128xf32, #tpu.memory_space<vmem>>, %arg13: memref<64x128xf32, #tpu.memory_space<vmem>>, %arg14: memref<16x128xf32, #tpu.memory_space<vmem>>, %arg15: memref<16x128xf32, #tpu.memory_space<vmem>>, %arg16: memref<!tpu.dma_semaphore, #tpu.memory_space<semaphore_mem>>) attributes {dimension_semantics = [#tpu.dimension_semantics<core_parallel>, #tpu.dimension_semantics<subcore_parallel>], iteration_bounds = array<i64: 2, 16>, scalar_prefetch = 0 : i64, scratch_operands = 8 : i64, tpu.core_type = #tpu.core_type<sc_vector_subcore>, window_params = [{transform_indices = #map}, {transform_indices = #map}, {transform_indices = #map}, {transform_indices = #map}, {transform_indices = #map}, {transform_indices = #map}, {transform_indices = #map}]} {
    %mul3A = arith.constant 16 : i32
    %mul3A_0 = arith.muli %arg0, %mul3A : i32
    %add3A = arith.addi %mul3A_0, %arg1 : i32
    %mul3A_1 = arith.constant 4 : i32
    %mul3A_2 = arith.muli %add3A, %mul3A_1 : i32
    %add3A_3 = arith.constant 0 : i32
    %add3A_4 = arith.addi %mul3A_2, %add3A_3 : i32
    %mul3A_5 = arith.constant 2048 : i32
    %mul3A_6 = arith.muli %add3A_4, %mul3A_5 : i32
    %dma_start3A = arith.constant 0 : i32
    %dma_start3A_7 = arith.constant 0 : i32
    %dma_start3A_8 = tpu.memref_slice %arg12[%dma_start3A, %dma_start3A_7] : memref<64x128xf32, #tpu.memory_space<vmem>> -> memref<16x128xf32, #tpu.memory_space<vmem>>
    %dma_start3A_9 = arith.constant 0 : i32
    %dma_start3A_10 = tpu.memref_slice %arg5[%mul3A_6, %dma_start3A_9] : memref<262144x128xf32, #tpu.memory_space<hbm>> -> memref<16x128xf32, #tpu.memory_space<hbm>>
    %dma_start3A_11 = arith.constant 0 : i32
    %dma_start3A_12 = arith.constant 0 : i32
    %dma_start3A_13 = tpu.memref_slice %arg12[%dma_start3A_11, %dma_start3A_12] : memref<64x128xf32, #tpu.memory_space<vmem>> -> memref<16x128xf32, #tpu.memory_space<vmem>>
    %dma_start3A_14 = arith.constant 0 : i32
    %dma_start3A_15 = tpu.memref_slice %arg5[%mul3A_6, %dma_start3A_14] : memref<262144x128xf32, #tpu.memory_space<hbm>> -> memref<16x128xf32, #tpu.memory_space<hbm>>
    tpu.enqueue_dma source(%dma_start3A_15 : memref<16x128xf32, #tpu.memory_space<hbm>>) target(%dma_start3A_13 : memref<16x128xf32, #tpu.memory_space<vmem>>) target_semaphore(%arg16 : memref<!tpu.dma_semaphore, #tpu.memory_space<semaphore_mem>>)
    %dma_start3A_16 = arith.constant 0 : i32
    %dma_start3A_17 = arith.constant 0 : i32
    %dma_start3A_18 = tpu.memref_slice %arg13[%dma_start3A_16, %dma_start3A_17] : memref<64x128xf32, #tpu.memory_space<vmem>> -> memref<16x128xf32, #tpu.memory_space<vmem>>
    %dma_start3A_19 = arith.constant 0 : i32
    %dma_start3A_20 = tpu.memref_slice %arg6[%mul3A_6, %dma_start3A_19] : memref<262144x128xf32, #tpu.memory_space<hbm>> -> memref<16x128xf32, #tpu.memory_space<hbm>>
    %dma_start3A_21 = arith.constant 0 : i32
    %dma_start3A_22 = arith.constant 0 : i32
    %dma_start3A_23 = tpu.memref_slice %arg13[%dma_start3A_21, %dma_start3A_22] : memref<64x128xf32, #tpu.memory_space<vmem>> -> memref<16x128xf32, #tpu.memory_space<vmem>>
    %dma_start3A_24 = arith.constant 0 : i32
    %dma_start3A_25 = tpu.memref_slice %arg6[%mul3A_6, %dma_start3A_24] : memref<262144x128xf32, #tpu.memory_space<hbm>> -> memref<16x128xf32, #tpu.memory_space<hbm>>
    tpu.enqueue_dma source(%dma_start3A_25 : memref<16x128xf32, #tpu.memory_space<hbm>>) target(%dma_start3A_23 : memref<16x128xf32, #tpu.memory_space<vmem>>) target_semaphore(%arg16 : memref<!tpu.dma_semaphore, #tpu.memory_space<semaphore_mem>>)
    %mul3A_26 = arith.constant 4 : i32
    %mul3A_27 = arith.muli %add3A, %mul3A_26 : i32
    %add3A_28 = arith.constant 1 : i32
    %add3A_29 = arith.addi %mul3A_27, %add3A_28 : i32
    %mul3A_30 = arith.constant 2048 : i32
    %mul3A_31 = arith.muli %add3A_29, %mul3A_30 : i32
    %dma_start3A_32 = arith.constant 16 : i32
    %dma_start3A_33 = arith.constant 0 : i32
    %dma_start3A_34 = tpu.memref_slice %arg12[%dma_start3A_32, %dma_start3A_33] : memref<64x128xf32, #tpu.memory_space<vmem>> -> memref<16x128xf32, #tpu.memory_space<vmem>>
    %dma_start3A_35 = arith.constant 0 : i32
    %dma_start3A_36 = tpu.memref_slice %arg5[%mul3A_31, %dma_start3A_35] : memref<262144x128xf32, #tpu.memory_space<hbm>> -> memref<16x128xf32, #tpu.memory_space<hbm>>
    %dma_start3A_37 = arith.constant 16 : i32
    %dma_start3A_38 = arith.constant 0 : i32
    %dma_start3A_39 = tpu.memref_slice %arg12[%dma_start3A_37, %dma_start3A_38] : memref<64x128xf32, #tpu.memory_space<vmem>> -> memref<16x128xf32, #tpu.memory_space<vmem>>
    %dma_start3A_40 = arith.constant 0 : i32
    %dma_start3A_41 = tpu.memref_slice %arg5[%mul3A_31, %dma_start3A_40] : memref<262144x128xf32, #tpu.memory_space<hbm>> -> memref<16x128xf32, #tpu.memory_space<hbm>>
    tpu.enqueue_dma source(%dma_start3A_41 : memref<16x128xf32, #tpu.memory_space<hbm>>) target(%dma_start3A_39 : memref<16x128xf32, #tpu.memory_space<vmem>>) target_semaphore(%arg16 : memref<!tpu.dma_semaphore, #tpu.memory_space<semaphore_mem>>)
    %dma_start3A_42 = arith.constant 16 : i32
    %dma_start3A_43 = arith.constant 0 : i32
    %dma_start3A_44 = tpu.memref_slice %arg13[%dma_start3A_42, %dma_start3A_43] : memref<64x128xf32, #tpu.memory_space<vmem>> -> memref<16x128xf32, #tpu.memory_space<vmem>>
    %dma_start3A_45 = arith.constant 0 : i32
    %dma_start3A_46 = tpu.memref_slice %arg6[%mul3A_31, %dma_start3A_45] : memref<262144x128xf32, #tpu.memory_space<hbm>> -> memref<16x128xf32, #tpu.memory_space<hbm>>
    %dma_start3A_47 = arith.constant 16 : i32
    %dma_start3A_48 = arith.constant 0 : i32
    %dma_start3A_49 = tpu.memref_slice %arg13[%dma_start3A_47, %dma_start3A_48] : memref<64x128xf32, #tpu.memory_space<vmem>> -> memref<16x128xf32, #tpu.memory_space<vmem>>
    %dma_start3A_50 = arith.constant 0 : i32
    %dma_start3A_51 = tpu.memref_slice %arg6[%mul3A_31, %dma_start3A_50] : memref<262144x128xf32, #tpu.memory_space<hbm>> -> memref<16x128xf32, #tpu.memory_space<hbm>>
    tpu.enqueue_dma source(%dma_start3A_51 : memref<16x128xf32, #tpu.memory_space<hbm>>) target(%dma_start3A_49 : memref<16x128xf32, #tpu.memory_space<vmem>>) target_semaphore(%arg16 : memref<!tpu.dma_semaphore, #tpu.memory_space<semaphore_mem>>)
    %mul3A_52 = arith.constant 4 : i32
    %mul3A_53 = arith.muli %add3A, %mul3A_52 : i32
    %add3A_54 = arith.constant 2 : i32
    %add3A_55 = arith.addi %mul3A_53, %add3A_54 : i32
    %mul3A_56 = arith.constant 2048 : i32
    %mul3A_57 = arith.muli %add3A_55, %mul3A_56 : i32
    %dma_start3A_58 = arith.constant 32 : i32
    %dma_start3A_59 = arith.constant 0 : i32
    %dma_start3A_60 = tpu.memref_slice %arg12[%dma_start3A_58, %dma_start3A_59] : memref<64x128xf32, #tpu.memory_space<vmem>> -> memref<16x128xf32, #tpu.memory_space<vmem>>
    %dma_start3A_61 = arith.constant 0 : i32
    %dma_start3A_62 = tpu.memref_slice %arg5[%mul3A_57, %dma_start3A_61] : memref<262144x128xf32, #tpu.memory_space<hbm>> -> memref<16x128xf32, #tpu.memory_space<hbm>>
    %dma_start3A_63 = arith.constant 32 : i32
    %dma_start3A_64 = arith.constant 0 : i32
    %dma_start3A_65 = tpu.memref_slice %arg12[%dma_start3A_63, %dma_start3A_64] : memref<64x128xf32, #tpu.memory_space<vmem>> -> memref<16x128xf32, #tpu.memory_space<vmem>>
    %dma_start3A_66 = arith.constant 0 : i32
    %dma_start3A_67 = tpu.memref_slice %arg5[%mul3A_57, %dma_start3A_66] : memref<262144x128xf32, #tpu.memory_space<hbm>> -> memref<16x128xf32, #tpu.memory_space<hbm>>
    tpu.enqueue_dma source(%dma_start3A_67 : memref<16x128xf32, #tpu.memory_space<hbm>>) target(%dma_start3A_65 : memref<16x128xf32, #tpu.memory_space<vmem>>) target_semaphore(%arg16 : memref<!tpu.dma_semaphore, #tpu.memory_space<semaphore_mem>>)
    %dma_start3A_68 = arith.constant 32 : i32
    %dma_start3A_69 = arith.constant 0 : i32
    %dma_start3A_70 = tpu.memref_slice %arg13[%dma_start3A_68, %dma_start3A_69] : memref<64x128xf32, #tpu.memory_space<vmem>> -> memref<16x128xf32, #tpu.memory_space<vmem>>
    %dma_start3A_71 = arith.constant 0 : i32
    %dma_start3A_72 = tpu.memref_slice %arg6[%mul3A_57, %dma_start3A_71] : memref<262144x128xf32, #tpu.memory_space<hbm>> -> memref<16x128xf32, #tpu.memory_space<hbm>>
    %dma_start3A_73 = arith.constant 32 : i32
    %dma_start3A_74 = arith.constant 0 : i32
    %dma_start3A_75 = tpu.memref_slice %arg13[%dma_start3A_73, %dma_start3A_74] : memref<64x128xf32, #tpu.memory_space<vmem>> -> memref<16x128xf32, #tpu.memory_space<vmem>>
    %dma_start3A_76 = arith.constant 0 : i32
    %dma_start3A_77 = tpu.memref_slice %arg6[%mul3A_57, %dma_start3A_76] : memref<262144x128xf32, #tpu.memory_space<hbm>> -> memref<16x128xf32, #tpu.memory_space<hbm>>
    tpu.enqueue_dma source(%dma_start3A_77 : memref<16x128xf32, #tpu.memory_space<hbm>>) target(%dma_start3A_75 : memref<16x128xf32, #tpu.memory_space<vmem>>) target_semaphore(%arg16 : memref<!tpu.dma_semaphore, #tpu.memory_space<semaphore_mem>>)
    %mul3A_78 = arith.constant 4 : i32
    %mul3A_79 = arith.muli %add3A, %mul3A_78 : i32
    %add3A_80 = arith.constant 3 : i32
    %add3A_81 = arith.addi %mul3A_79, %add3A_80 : i32
    %mul3A_82 = arith.constant 2048 : i32
    %mul3A_83 = arith.muli %add3A_81, %mul3A_82 : i32
    %dma_start3A_84 = arith.constant 48 : i32
    %dma_start3A_85 = arith.constant 0 : i32
    %dma_start3A_86 = tpu.memref_slice %arg12[%dma_start3A_84, %dma_start3A_85] : memref<64x128xf32, #tpu.memory_space<vmem>> -> memref<16x128xf32, #tpu.memory_space<vmem>>
    %dma_start3A_87 = arith.constant 0 : i32
    %dma_start3A_88 = tpu.memref_slice %arg5[%mul3A_83, %dma_start3A_87] : memref<262144x128xf32, #tpu.memory_space<hbm>> -> memref<16x128xf32, #tpu.memory_space<hbm>>
    %dma_start3A_89 = arith.constant 48 : i32
    %dma_start3A_90 = arith.constant 0 : i32
    %dma_start3A_91 = tpu.memref_slice %arg12[%dma_start3A_89, %dma_start3A_90] : memref<64x128xf32, #tpu.memory_space<vmem>> -> memref<16x128xf32, #tpu.memory_space<vmem>>
    %dma_start3A_92 = arith.constant 0 : i32
    %dma_start3A_93 = tpu.memref_slice %arg5[%mul3A_83, %dma_start3A_92] : memref<262144x128xf32, #tpu.memory_space<hbm>> -> memref<16x128xf32, #tpu.memory_space<hbm>>
    tpu.enqueue_dma source(%dma_start3A_93 : memref<16x128xf32, #tpu.memory_space<hbm>>) target(%dma_start3A_91 : memref<16x128xf32, #tpu.memory_space<vmem>>) target_semaphore(%arg16 : memref<!tpu.dma_semaphore, #tpu.memory_space<semaphore_mem>>)
    %dma_start3A_94 = arith.constant 48 : i32
    %dma_start3A_95 = arith.constant 0 : i32
    %dma_start3A_96 = tpu.memref_slice %arg13[%dma_start3A_94, %dma_start3A_95] : memref<64x128xf32, #tpu.memory_space<vmem>> -> memref<16x128xf32, #tpu.memory_space<vmem>>
    %dma_start3A_97 = arith.constant 0 : i32
    %dma_start3A_98 = tpu.memref_slice %arg6[%mul3A_83, %dma_start3A_97] : memref<262144x128xf32, #tpu.memory_space<hbm>> -> memref<16x128xf32, #tpu.memory_space<hbm>>
    %dma_start3A_99 = arith.constant 48 : i32
    %dma_start3A_100 = arith.constant 0 : i32
    %dma_start3A_101 = tpu.memref_slice %arg13[%dma_start3A_99, %dma_start3A_100] : memref<64x128xf32, #tpu.memory_space<vmem>> -> memref<16x128xf32, #tpu.memory_space<vmem>>
    %dma_start3A_102 = arith.constant 0 : i32
    %dma_start3A_103 = tpu.memref_slice %arg6[%mul3A_83, %dma_start3A_102] : memref<262144x128xf32, #tpu.memory_space<hbm>> -> memref<16x128xf32, #tpu.memory_space<hbm>>
    tpu.enqueue_dma source(%dma_start3A_103 : memref<16x128xf32, #tpu.memory_space<hbm>>) target(%dma_start3A_101 : memref<16x128xf32, #tpu.memory_space<vmem>>) target_semaphore(%arg16 : memref<!tpu.dma_semaphore, #tpu.memory_space<semaphore_mem>>)
    %dma_wait3A = arith.constant 0 : i32
    %dma_wait3A_104 = arith.constant 0 : i32
    %dma_wait3A_105 = tpu.memref_slice %arg12[%dma_wait3A, %dma_wait3A_104] : memref<64x128xf32, #tpu.memory_space<vmem>> -> memref<16x128xf32, #tpu.memory_space<vmem>>
    %dma_wait3A_106 = arith.constant 0 : i32
    %dma_wait3A_107 = tpu.memref_slice %arg5[%mul3A_6, %dma_wait3A_106] : memref<262144x128xf32, #tpu.memory_space<hbm>> -> memref<16x128xf32, #tpu.memory_space<hbm>>
    %dma_wait3A_108 = arith.constant 0 : i32
    %dma_wait3A_109 = arith.constant 0 : i32
    %dma_wait3A_110 = tpu.memref_slice %arg12[%dma_wait3A_108, %dma_wait3A_109] : memref<64x128xf32, #tpu.memory_space<vmem>> -> memref<16x128xf32, #tpu.memory_space<vmem>>
    %dma_wait3A_111 = arith.constant 0 : i32
    %dma_wait3A_112 = tpu.memref_slice %arg5[%mul3A_6, %dma_wait3A_111] : memref<262144x128xf32, #tpu.memory_space<hbm>> -> memref<16x128xf32, #tpu.memory_space<hbm>>
    tpu.wait_dma2 semaphore(%arg16 : memref<!tpu.dma_semaphore, #tpu.memory_space<semaphore_mem>>) src(%dma_wait3A_112 : memref<16x128xf32, #tpu.memory_space<hbm>>) dst(%dma_wait3A_110 : memref<16x128xf32, #tpu.memory_space<vmem>>)
    %dma_wait3A_113 = arith.constant 0 : i32
    %dma_wait3A_114 = arith.constant 0 : i32
    %dma_wait3A_115 = tpu.memref_slice %arg13[%dma_wait3A_113, %dma_wait3A_114] : memref<64x128xf32, #tpu.memory_space<vmem>> -> memref<16x128xf32, #tpu.memory_space<vmem>>
    %dma_wait3A_116 = arith.constant 0 : i32
    %dma_wait3A_117 = tpu.memref_slice %arg6[%mul3A_6, %dma_wait3A_116] : memref<262144x128xf32, #tpu.memory_space<hbm>> -> memref<16x128xf32, #tpu.memory_space<hbm>>
    %dma_wait3A_118 = arith.constant 0 : i32
    %dma_wait3A_119 = arith.constant 0 : i32
    %dma_wait3A_120 = tpu.memref_slice %arg13[%dma_wait3A_118, %dma_wait3A_119] : memref<64x128xf32, #tpu.memory_space<vmem>> -> memref<16x128xf32, #tpu.memory_space<vmem>>
    %dma_wait3A_121 = arith.constant 0 : i32
    %dma_wait3A_122 = tpu.memref_slice %arg6[%mul3A_6, %dma_wait3A_121] : memref<262144x128xf32, #tpu.memory_space<hbm>> -> memref<16x128xf32, #tpu.memory_space<hbm>>
    tpu.wait_dma2 semaphore(%arg16 : memref<!tpu.dma_semaphore, #tpu.memory_space<semaphore_mem>>) src(%dma_wait3A_122 : memref<16x128xf32, #tpu.memory_space<hbm>>) dst(%dma_wait3A_120 : memref<16x128xf32, #tpu.memory_space<vmem>>)
    %dma_wait3A_123 = arith.constant 16 : i32
    %dma_wait3A_124 = arith.constant 0 : i32
    %dma_wait3A_125 = tpu.memref_slice %arg12[%dma_wait3A_123, %dma_wait3A_124] : memref<64x128xf32, #tpu.memory_space<vmem>> -> memref<16x128xf32, #tpu.memory_space<vmem>>
    %dma_wait3A_126 = arith.constant 0 : i32
    %dma_wait3A_127 = tpu.memref_slice %arg5[%mul3A_31, %dma_wait3A_126] : memref<262144x128xf32, #tpu.memory_space<hbm>> -> memref<16x128xf32, #tpu.memory_space<hbm>>
    %dma_wait3A_128 = arith.constant 16 : i32
    %dma_wait3A_129 = arith.constant 0 : i32
    %dma_wait3A_130 = tpu.memref_slice %arg12[%dma_wait3A_128, %dma_wait3A_129] : memref<64x128xf32, #tpu.memory_space<vmem>> -> memref<16x128xf32, #tpu.memory_space<vmem>>
    %dma_wait3A_131 = arith.constant 0 : i32
    %dma_wait3A_132 = tpu.memref_slice %arg5[%mul3A_31, %dma_wait3A_131] : memref<262144x128xf32, #tpu.memory_space<hbm>> -> memref<16x128xf32, #tpu.memory_space<hbm>>
    tpu.wait_dma2 semaphore(%arg16 : memref<!tpu.dma_semaphore, #tpu.memory_space<semaphore_mem>>) src(%dma_wait3A_132 : memref<16x128xf32, #tpu.memory_space<hbm>>) dst(%dma_wait3A_130 : memref<16x128xf32, #tpu.memory_space<vmem>>)
    %dma_wait3A_133 = arith.constant 16 : i32
    %dma_wait3A_134 = arith.constant 0 : i32
    %dma_wait3A_135 = tpu.memref_slice %arg13[%dma_wait3A_133, %dma_wait3A_134] : memref<64x128xf32, #tpu.memory_space<vmem>> -> memref<16x128xf32, #tpu.memory_space<vmem>>
    %dma_wait3A_136 = arith.constant 0 : i32
    %dma_wait3A_137 = tpu.memref_slice %arg6[%mul3A_31, %dma_wait3A_136] : memref<262144x128xf32, #tpu.memory_space<hbm>> -> memref<16x128xf32, #tpu.memory_space<hbm>>
    %dma_wait3A_138 = arith.constant 16 : i32
    %dma_wait3A_139 = arith.constant 0 : i32
    %dma_wait3A_140 = tpu.memref_slice %arg13[%dma_wait3A_138, %dma_wait3A_139] : memref<64x128xf32, #tpu.memory_space<vmem>> -> memref<16x128xf32, #tpu.memory_space<vmem>>
    %dma_wait3A_141 = arith.constant 0 : i32
    %dma_wait3A_142 = tpu.memref_slice %arg6[%mul3A_31, %dma_wait3A_141] : memref<262144x128xf32, #tpu.memory_space<hbm>> -> memref<16x128xf32, #tpu.memory_space<hbm>>
    tpu.wait_dma2 semaphore(%arg16 : memref<!tpu.dma_semaphore, #tpu.memory_space<semaphore_mem>>) src(%dma_wait3A_142 : memref<16x128xf32, #tpu.memory_space<hbm>>) dst(%dma_wait3A_140 : memref<16x128xf32, #tpu.memory_space<vmem>>)
    %dma_wait3A_143 = arith.constant 32 : i32
    %dma_wait3A_144 = arith.constant 0 : i32
    %dma_wait3A_145 = tpu.memref_slice %arg12[%dma_wait3A_143, %dma_wait3A_144] : memref<64x128xf32, #tpu.memory_space<vmem>> -> memref<16x128xf32, #tpu.memory_space<vmem>>
    %dma_wait3A_146 = arith.constant 0 : i32
    %dma_wait3A_147 = tpu.memref_slice %arg5[%mul3A_57, %dma_wait3A_146] : memref<262144x128xf32, #tpu.memory_space<hbm>> -> memref<16x128xf32, #tpu.memory_space<hbm>>
    %dma_wait3A_148 = arith.constant 32 : i32
    %dma_wait3A_149 = arith.constant 0 : i32
    %dma_wait3A_150 = tpu.memref_slice %arg12[%dma_wait3A_148, %dma_wait3A_149] : memref<64x128xf32, #tpu.memory_space<vmem>> -> memref<16x128xf32, #tpu.memory_space<vmem>>
    %dma_wait3A_151 = arith.constant 0 : i32
    %dma_wait3A_152 = tpu.memref_slice %arg5[%mul3A_57, %dma_wait3A_151] : memref<262144x128xf32, #tpu.memory_space<hbm>> -> memref<16x128xf32, #tpu.memory_space<hbm>>
    tpu.wait_dma2 semaphore(%arg16 : memref<!tpu.dma_semaphore, #tpu.memory_space<semaphore_mem>>) src(%dma_wait3A_152 : memref<16x128xf32, #tpu.memory_space<hbm>>) dst(%dma_wait3A_150 : memref<16x128xf32, #tpu.memory_space<vmem>>)
    %dma_wait3A_153 = arith.constant 32 : i32
    %dma_wait3A_154 = arith.constant 0 : i32
    %dma_wait3A_155 = tpu.memref_slice %arg13[%dma_wait3A_153, %dma_wait3A_154] : memref<64x128xf32, #tpu.memory_space<vmem>> -> memref<16x128xf32, #tpu.memory_space<vmem>>
    %dma_wait3A_156 = arith.constant 0 : i32
    %dma_wait3A_157 = tpu.memref_slice %arg6[%mul3A_57, %dma_wait3A_156] : memref<262144x128xf32, #tpu.memory_space<hbm>> -> memref<16x128xf32, #tpu.memory_space<hbm>>
    %dma_wait3A_158 = arith.constant 32 : i32
    %dma_wait3A_159 = arith.constant 0 : i32
    %dma_wait3A_160 = tpu.memref_slice %arg13[%dma_wait3A_158, %dma_wait3A_159] : memref<64x128xf32, #tpu.memory_space<vmem>> -> memref<16x128xf32, #tpu.memory_space<vmem>>
    %dma_wait3A_161 = arith.constant 0 : i32
    %dma_wait3A_162 = tpu.memref_slice %arg6[%mul3A_57, %dma_wait3A_161] : memref<262144x128xf32, #tpu.memory_space<hbm>> -> memref<16x128xf32, #tpu.memory_space<hbm>>
    tpu.wait_dma2 semaphore(%arg16 : memref<!tpu.dma_semaphore, #tpu.memory_space<semaphore_mem>>) src(%dma_wait3A_162 : memref<16x128xf32, #tpu.memory_space<hbm>>) dst(%dma_wait3A_160 : memref<16x128xf32, #tpu.memory_space<vmem>>)
    %dma_wait3A_163 = arith.constant 48 : i32
    %dma_wait3A_164 = arith.constant 0 : i32
    %dma_wait3A_165 = tpu.memref_slice %arg12[%dma_wait3A_163, %dma_wait3A_164] : memref<64x128xf32, #tpu.memory_space<vmem>> -> memref<16x128xf32, #tpu.memory_space<vmem>>
    %dma_wait3A_166 = arith.constant 0 : i32
    %dma_wait3A_167 = tpu.memref_slice %arg5[%mul3A_83, %dma_wait3A_166] : memref<262144x128xf32, #tpu.memory_space<hbm>> -> memref<16x128xf32, #tpu.memory_space<hbm>>
    %dma_wait3A_168 = arith.constant 48 : i32
    %dma_wait3A_169 = arith.constant 0 : i32
    %dma_wait3A_170 = tpu.memref_slice %arg12[%dma_wait3A_168, %dma_wait3A_169] : memref<64x128xf32, #tpu.memory_space<vmem>> -> memref<16x128xf32, #tpu.memory_space<vmem>>
    %dma_wait3A_171 = arith.constant 0 : i32
    %dma_wait3A_172 = tpu.memref_slice %arg5[%mul3A_83, %dma_wait3A_171] : memref<262144x128xf32, #tpu.memory_space<hbm>> -> memref<16x128xf32, #tpu.memory_space<hbm>>
    tpu.wait_dma2 semaphore(%arg16 : memref<!tpu.dma_semaphore, #tpu.memory_space<semaphore_mem>>) src(%dma_wait3A_172 : memref<16x128xf32, #tpu.memory_space<hbm>>) dst(%dma_wait3A_170 : memref<16x128xf32, #tpu.memory_space<vmem>>)
    %dma_wait3A_173 = arith.constant 48 : i32
    %dma_wait3A_174 = arith.constant 0 : i32
    %dma_wait3A_175 = tpu.memref_slice %arg13[%dma_wait3A_173, %dma_wait3A_174] : memref<64x128xf32, #tpu.memory_space<vmem>> -> memref<16x128xf32, #tpu.memory_space<vmem>>
    %dma_wait3A_176 = arith.constant 0 : i32
    %dma_wait3A_177 = tpu.memref_slice %arg6[%mul3A_83, %dma_wait3A_176] : memref<262144x128xf32, #tpu.memory_space<hbm>> -> memref<16x128xf32, #tpu.memory_space<hbm>>
    %dma_wait3A_178 = arith.constant 48 : i32
    %dma_wait3A_179 = arith.constant 0 : i32
    %dma_wait3A_180 = tpu.memref_slice %arg13[%dma_wait3A_178, %dma_wait3A_179] : memref<64x128xf32, #tpu.memory_space<vmem>> -> memref<16x128xf32, #tpu.memory_space<vmem>>
    %dma_wait3A_181 = arith.constant 0 : i32
    %dma_wait3A_182 = tpu.memref_slice %arg6[%mul3A_83, %dma_wait3A_181] : memref<262144x128xf32, #tpu.memory_space<hbm>> -> memref<16x128xf32, #tpu.memory_space<hbm>>
    tpu.wait_dma2 semaphore(%arg16 : memref<!tpu.dma_semaphore, #tpu.memory_space<semaphore_mem>>) src(%dma_wait3A_182 : memref<16x128xf32, #tpu.memory_space<hbm>>) dst(%dma_wait3A_180 : memref<16x128xf32, #tpu.memory_space<vmem>>)
    %mul3A_183 = arith.constant 4 : i32
    %mul3A_184 = arith.muli %add3A, %mul3A_183 : i32
    %mul3A_185 = arith.constant 16 : i32
    %mul3A_186 = arith.muli %mul3A_184, %mul3A_185 : i32
    %dma_start3A_187 = arith.constant 0 : i32
    %dma_start3A_188 = tpu.memref_slice %arg7[%mul3A_186, %dma_start3A_187] : memref<2048x128xf32, #tpu.memory_space<hbm>> -> memref<64x128xf32, #tpu.memory_space<hbm>>
    %dma_start3A_189 = arith.constant 0 : i32
    %dma_start3A_190 = tpu.memref_slice %arg7[%mul3A_186, %dma_start3A_189] : memref<2048x128xf32, #tpu.memory_space<hbm>> -> memref<64x128xf32, #tpu.memory_space<hbm>>
    tpu.enqueue_dma source(%arg12 : memref<64x128xf32, #tpu.memory_space<vmem>>) target(%dma_start3A_190 : memref<64x128xf32, #tpu.memory_space<hbm>>) target_semaphore(%arg16 : memref<!tpu.dma_semaphore, #tpu.memory_space<semaphore_mem>>)
    %dma_start3A_191 = arith.constant 0 : i32
    %dma_start3A_192 = tpu.memref_slice %arg8[%mul3A_186, %dma_start3A_191] : memref<2048x128xf32, #tpu.memory_space<hbm>> -> memref<64x128xf32, #tpu.memory_space<hbm>>
    %dma_start3A_193 = arith.constant 0 : i32
    %dma_start3A_194 = tpu.memref_slice %arg8[%mul3A_186, %dma_start3A_193] : memref<2048x128xf32, #tpu.memory_space<hbm>> -> memref<64x128xf32, #tpu.memory_space<hbm>>
    tpu.enqueue_dma source(%arg13 : memref<64x128xf32, #tpu.memory_space<vmem>>) target(%dma_start3A_194 : memref<64x128xf32, #tpu.memory_space<hbm>>) target_semaphore(%arg16 : memref<!tpu.dma_semaphore, #tpu.memory_space<semaphore_mem>>)
    %dma_wait3A_195 = arith.constant 0 : i32
    %dma_wait3A_196 = tpu.memref_slice %arg7[%mul3A_186, %dma_wait3A_195] : memref<2048x128xf32, #tpu.memory_space<hbm>> -> memref<64x128xf32, #tpu.memory_space<hbm>>
    %dma_wait3A_197 = arith.constant 0 : i32
    %dma_wait3A_198 = tpu.memref_slice %arg7[%mul3A_186, %dma_wait3A_197] : memref<2048x128xf32, #tpu.memory_space<hbm>> -> memref<64x128xf32, #tpu.memory_space<hbm>>
    tpu.wait_dma2 semaphore(%arg16 : memref<!tpu.dma_semaphore, #tpu.memory_space<semaphore_mem>>) src(%arg12 : memref<64x128xf32, #tpu.memory_space<vmem>>) dst(%dma_wait3A_198 : memref<64x128xf32, #tpu.memory_space<hbm>>)
    %dma_wait3A_199 = arith.constant 0 : i32
    %dma_wait3A_200 = tpu.memref_slice %arg8[%mul3A_186, %dma_wait3A_199] : memref<2048x128xf32, #tpu.memory_space<hbm>> -> memref<64x128xf32, #tpu.memory_space<hbm>>
    %dma_wait3A_201 = arith.constant 0 : i32
    %dma_wait3A_202 = tpu.memref_slice %arg8[%mul3A_186, %dma_wait3A_201] : memref<2048x128xf32, #tpu.memory_space<hbm>> -> memref<64x128xf32, #tpu.memory_space<hbm>>
    tpu.wait_dma2 semaphore(%arg16 : memref<!tpu.dma_semaphore, #tpu.memory_space<semaphore_mem>>) src(%arg13 : memref<64x128xf32, #tpu.memory_space<vmem>>) dst(%dma_wait3A_202 : memref<64x128xf32, #tpu.memory_space<hbm>>)
    %barrier3A = arith.constant 0 : index
    tpu.barrier barrier_id(%barrier3A)
    "tpu.region"() ({
      %run_scoped3A = tpu.sem_alloc : memref<!tpu.dma_semaphore, #tpu.memory_space<semaphore_mem>>
      %dma_start3A_271 = arith.constant 0 : i32
      %dma_start3A_272 = tpu.memref_slice %arg2[%arg0, %dma_start3A_271] : memref<2x16xi32, #tpu.memory_space<hbm>> -> memref<1x16xi32, #tpu.memory_space<hbm>>
      %dma_start3A_273 = tpu.memref_squeeze %dma_start3A_272 : memref<1x16xi32, #tpu.memory_space<hbm>> -> memref<16xi32, #tpu.memory_space<hbm>>
      %dma_start3A_274 = arith.constant 0 : i32
      %dma_start3A_275 = tpu.memref_slice %arg2[%arg0, %dma_start3A_274] : memref<2x16xi32, #tpu.memory_space<hbm>> -> memref<1x16xi32, #tpu.memory_space<hbm>>
      %dma_start3A_276 = tpu.memref_squeeze %dma_start3A_275 : memref<1x16xi32, #tpu.memory_space<hbm>> -> memref<16xi32, #tpu.memory_space<hbm>>
      tpu.enqueue_dma source(%dma_start3A_276 : memref<16xi32, #tpu.memory_space<hbm>>) target(%arg9 : memref<16xi32, #tpu.memory_space<vmem>>) target_semaphore(%run_scoped3A : memref<!tpu.dma_semaphore, #tpu.memory_space<semaphore_mem>>)
      %dma_wait3A_277 = arith.constant 0 : i32
      %dma_wait3A_278 = tpu.memref_slice %arg2[%arg0, %dma_wait3A_277] : memref<2x16xi32, #tpu.memory_space<hbm>> -> memref<1x16xi32, #tpu.memory_space<hbm>>
      %dma_wait3A_279 = tpu.memref_squeeze %dma_wait3A_278 : memref<1x16xi32, #tpu.memory_space<hbm>> -> memref<16xi32, #tpu.memory_space<hbm>>
      %dma_wait3A_280 = arith.constant 0 : i32
      %dma_wait3A_281 = tpu.memref_slice %arg2[%arg0, %dma_wait3A_280] : memref<2x16xi32, #tpu.memory_space<hbm>> -> memref<1x16xi32, #tpu.memory_space<hbm>>
      %dma_wait3A_282 = tpu.memref_squeeze %dma_wait3A_281 : memref<1x16xi32, #tpu.memory_space<hbm>> -> memref<16xi32, #tpu.memory_space<hbm>>
      tpu.wait_dma2 semaphore(%run_scoped3A : memref<!tpu.dma_semaphore, #tpu.memory_space<semaphore_mem>>) src(%dma_wait3A_282 : memref<16xi32, #tpu.memory_space<hbm>>) dst(%arg9 : memref<16xi32, #tpu.memory_space<vmem>>)
      tpu.yield
    }) : () -> ()
    %get3A = arith.constant 0 : index
    %get3A_203 = tpu.vector_load %arg9[%get3A] {strides = array<i32>} : memref<16xi32, #tpu.memory_space<vmem>>, vector<16xi32>,
    %get3A_204 = vector.shape_cast %get3A_203 : vector<16xi32> to vector<16xi32>
    %mul3A_205 = arith.constant 4 : i32
    %mul3A_206 = arith.muli %arg0, %mul3A_205 : i32
    %iota3A = tpu.iota {dimensions = array<i32: 0>} : vector<16xi32>
    %jit3A = arith.constant 4 : i32
    %eq3A = arith.constant 0 : i32
    %eq3A_207 = arith.cmpi eq, %jit3A, %eq3A : i32
    %jit3A_208 = arith.constant 1 : i32
    %select_n3A = arith.select %eq3A_207, %jit3A_208, %jit3A : i32
    %rem3A = vector.broadcast %select_n3A : i32 to vector<16xi32>
    %rem3A_209 = arith.remsi %iota3A, %rem3A : vector<16xi32>
    %ne3A = arith.constant 0 : i32
    %ne3A_210 = vector.broadcast %ne3A : i32 to vector<16xi32>
    %ne3A_211 = arith.cmpi ne, %rem3A_209, %ne3A_210 : vector<16xi32>
    %lt3A = arith.constant 0 : i32
    %lt3A_212 = vector.broadcast %lt3A : i32 to vector<16xi32>
    %lt3A_213 = arith.cmpi slt, %rem3A_209, %lt3A_212 : vector<16xi32>
    %lt3A_214 = arith.constant 0 : i32
    %lt3A_215 = arith.cmpi slt, %select_n3A, %lt3A_214 : i32
    %ne3A_216 = vector.broadcast %lt3A_215 : i1 to vector<16xi1>
    %ne3A_217 = vector.broadcast %ne3A_216 : vector<16xi1> to vector<16xi1>
    %ne3A_218 = arith.xori %lt3A_213, %ne3A_217 : vector<16xi1>
    %and3A = arith.andi %ne3A_218, %ne3A_211 : vector<16xi1>
    %add3A_219 = vector.broadcast %select_n3A : i32 to vector<16xi32>
    %add3A_220 = arith.addi %rem3A_209, %add3A_219 : vector<16xi32>
    %select_n3A_221 = arith.select %and3A, %add3A_220, %rem3A_209 : vector<16xi1>, vector<16xi32>
    %add3A_222 = vector.broadcast %mul3A_206 : i32 to vector<16xi32>
    %add3A_223 = arith.addi %add3A_222, %select_n3A_221 : vector<16xi32>
    %mul3A_224 = arith.constant 16 : i32
    %mul3A_225 = vector.broadcast %mul3A_224 : i32 to vector<16xi32>
    %mul3A_226 = arith.muli %add3A_223, %mul3A_225 : vector<16xi32>
    %add3A_227 = vector.broadcast %arg1 : i32 to vector<16xi32>
    %add3A_228 = arith.addi %mul3A_226, %add3A_227 : vector<16xi32>
    %swap3A = arith.constant 0 : index
    %swap3A_229 = tpu.vector_load %arg10[%swap3A] {strides = array<i32>} : memref<16xi32, #tpu.memory_space<vmem>>, vector<16xi32>,
    %swap3A_230 = vector.shape_cast %swap3A_229 : vector<16xi32> to vector<16xi32>
    %swap3A_231 = vector.shape_cast %add3A_228 : vector<16xi32> to vector<16xi32>
    tpu.vector_store %arg10[%swap3A], %swap3A_231 {strides = array<i32>} : memref<16xi32, #tpu.memory_space<vmem>>, vector<16xi32>,
    %mul3A_232 = arith.constant 16 : i32
    %mul3A_233 = vector.broadcast %mul3A_232 : i32 to vector<16xi32>
    %mul3A_234 = arith.muli %add3A_223, %mul3A_233 : vector<16xi32>
    %add3A_235 = arith.addi %mul3A_234, %get3A_204 : vector<16xi32>
    %sub3A = arith.constant 1 : i32
    %sub3A_236 = vector.broadcast %sub3A : i32 to vector<16xi32>
    %sub3A_237 = arith.subi %add3A_235, %sub3A_236 : vector<16xi32>
    %mul3A_238 = arith.constant 16 : i32
    %mul3A_239 = vector.broadcast %mul3A_238 : i32 to vector<16xi32>
    %mul3A_240 = arith.muli %sub3A_237, %mul3A_239 : vector<16xi32>
    %add3A_241 = vector.broadcast %arg1 : i32 to vector<16xi32>
    %add3A_242 = arith.addi %mul3A_240, %add3A_241 : vector<16xi32>
    %swap3A_243 = arith.constant 0 : index
    %swap3A_244 = tpu.vector_load %arg11[%swap3A_243] {strides = array<i32>} : memref<16xi32, #tpu.memory_space<vmem>>, vector<16xi32>,
    %swap3A_245 = vector.shape_cast %swap3A_244 : vector<16xi32> to vector<16xi32>
    %swap3A_246 = vector.shape_cast %add3A_242 : vector<16xi32> to vector<16xi32>
    tpu.vector_store %arg11[%swap3A_243], %swap3A_246 {strides = array<i32>} : memref<16xi32, #tpu.memory_space<vmem>>, vector<16xi32>,
    %dma_start3A_247 = arith.constant 0 : i32
    %dma_start3A_248 = arith.constant 0 : i32
    %dma_start3A_249 = tpu.memref_slice %arg3[%dma_start3A_247, %dma_start3A_248] : memref<128x128xf32, #tpu.memory_space<hbm>> -> memref<128x128xf32, #tpu.memory_space<hbm>>
    tpu.enqueue_indirect_dma source(%dma_start3A_249 : memref<128x128xf32, #tpu.memory_space<hbm>>) target(%arg14 : memref<16x128xf32, #tpu.memory_space<vmem>>) offsets(%arg10 : memref<16xi32, #tpu.memory_space<vmem>>) semaphore(%arg16 : memref<!tpu.dma_semaphore, #tpu.memory_space<semaphore_mem>>)
    %dma_start3A_250 = arith.constant 0 : i32
    %dma_start3A_251 = arith.constant 0 : i32
    %dma_start3A_252 = tpu.memref_slice %arg4[%dma_start3A_250, %dma_start3A_251] : memref<128x128xf32, #tpu.memory_space<hbm>> -> memref<128x128xf32, #tpu.memory_space<hbm>>
    tpu.enqueue_indirect_dma source(%dma_start3A_252 : memref<128x128xf32, #tpu.memory_space<hbm>>) target(%arg15 : memref<16x128xf32, #tpu.memory_space<vmem>>) offsets(%arg10 : memref<16xi32, #tpu.memory_space<vmem>>) semaphore(%arg16 : memref<!tpu.dma_semaphore, #tpu.memory_space<semaphore_mem>>)
    %dma_wait3A_253 = arith.constant 0 : i32
    %dma_wait3A_254 = arith.constant 0 : i32
    %dma_wait3A_255 = tpu.memref_slice %arg3[%dma_wait3A_253, %dma_wait3A_254] : memref<128x128xf32, #tpu.memory_space<hbm>> -> memref<128x128xf32, #tpu.memory_space<hbm>>
    tpu.wait_indirect_dma semaphore(%arg16 : memref<!tpu.dma_semaphore, #tpu.memory_space<semaphore_mem>>) src(%dma_wait3A_255 : memref<128x128xf32, #tpu.memory_space<hbm>>) dst(%arg14 : memref<16x128xf32, #tpu.memory_space<vmem>>)
    %dma_wait3A_256 = arith.constant 0 : i32
    %dma_wait3A_257 = arith.constant 0 : i32
    %dma_wait3A_258 = tpu.memref_slice %arg4[%dma_wait3A_256, %dma_wait3A_257] : memref<128x128xf32, #tpu.memory_space<hbm>> -> memref<128x128xf32, #tpu.memory_space<hbm>>
    tpu.wait_indirect_dma semaphore(%arg16 : memref<!tpu.dma_semaphore, #tpu.memory_space<semaphore_mem>>) src(%dma_wait3A_258 : memref<128x128xf32, #tpu.memory_space<hbm>>) dst(%arg15 : memref<16x128xf32, #tpu.memory_space<vmem>>)
    %dma_start3A_259 = arith.constant 0 : i32
    %dma_start3A_260 = arith.constant 0 : i32
    %dma_start3A_261 = tpu.memref_slice %arg7[%dma_start3A_259, %dma_start3A_260] : memref<2048x128xf32, #tpu.memory_space<hbm>> -> memref<2048x128xf32, #tpu.memory_space<hbm>>
    tpu.enqueue_indirect_dma source(%arg14 : memref<16x128xf32, #tpu.memory_space<vmem>>) target(%dma_start3A_261 : memref<2048x128xf32, #tpu.memory_space<hbm>>) offsets(%arg11 : memref<16xi32, #tpu.memory_space<vmem>>) semaphore(%arg16 : memref<!tpu.dma_semaphore, #tpu.memory_space<semaphore_mem>>)
    %dma_start3A_262 = arith.constant 0 : i32
    %dma_start3A_263 = arith.constant 0 : i32
    %dma_start3A_264 = tpu.memref_slice %arg8[%dma_start3A_262, %dma_start3A_263] : memref<2048x128xf32, #tpu.memory_space<hbm>> -> memref<2048x128xf32, #tpu.memory_space<hbm>>
    tpu.enqueue_indirect_dma source(%arg15 : memref<16x128xf32, #tpu.memory_space<vmem>>) target(%dma_start3A_264 : memref<2048x128xf32, #tpu.memory_space<hbm>>) offsets(%arg11 : memref<16xi32, #tpu.memory_space<vmem>>) semaphore(%arg16 : memref<!tpu.dma_semaphore, #tpu.memory_space<semaphore_mem>>)
    %dma_wait3A_265 = arith.constant 0 : i32
    %dma_wait3A_266 = arith.constant 0 : i32
    %dma_wait3A_267 = tpu.memref_slice %arg7[%dma_wait3A_265, %dma_wait3A_266] : memref<2048x128xf32, #tpu.memory_space<hbm>> -> memref<2048x128xf32, #tpu.memory_space<hbm>>
    tpu.wait_indirect_dma semaphore(%arg16 : memref<!tpu.dma_semaphore, #tpu.memory_space<semaphore_mem>>) src(%arg14 : memref<16x128xf32, #tpu.memory_space<vmem>>) dst(%dma_wait3A_267 : memref<2048x128xf32, #tpu.memory_space<hbm>>)
    %dma_wait3A_268 = arith.constant 0 : i32
    %dma_wait3A_269 = arith.constant 0 : i32
    %dma_wait3A_270 = tpu.memref_slice %arg8[%dma_wait3A_268, %dma_wait3A_269] : memref<2048x128xf32, #tpu.memory_space<hbm>> -> memref<2048x128xf32, #tpu.memory_space<hbm>>
    tpu.wait_indirect_dma semaphore(%arg16 : memref<!tpu.dma_semaphore, #tpu.memory_space<semaphore_mem>>) src(%arg15 : memref<16x128xf32, #tpu.memory_space<vmem>>) dst(%dma_wait3A_270 : memref<2048x128xf32, #tpu.memory_space<hbm>>)
    return
  }
}

module attributes {stable_mosaic.version = 14 : i64} {
  func.func @_tc_body(%arg0: i32, %arg1: i32, %arg2: memref<1x4x2048x128xf32, #tpu.memory_space<vmem>>, %arg3: memref<1x4x2048x128xf32, #tpu.memory_space<vmem>>, %arg4: memref<1x4x16x128xf32, #tpu.memory_space<vmem>>, %arg5: memref<1x4x16x128xf32, #tpu.memory_space<vmem>>, %arg6: memref<1x4x2048x128xf32, #tpu.memory_space<vmem>>, %arg7: memref<1x4x2048x128xf32, #tpu.memory_space<vmem>>) attributes {dimension_semantics = [#tpu.dimension_semantics<arbitrary>, #tpu.dimension_semantics<arbitrary>], iteration_bounds = array<i64: 8, 4>, scalar_prefetch = 0 : i64, scratch_operands = 0 : i64, tpu.core_type = #tpu.core_type<tc>, window_params = [{transform_indices = @transform_0, window_bounds = array<i64: 1, 4, 2048, 128>}, {transform_indices = @transform_1, window_bounds = array<i64: 1, 4, 2048, 128>}, {transform_indices = @transform_2, window_bounds = array<i64: 1, 4, 16, 128>}, {transform_indices = @transform_3, window_bounds = array<i64: 1, 4, 16, 128>}, {transform_indices = @transform_4, window_bounds = array<i64: 1, 4, 2048, 128>}, {transform_indices = @transform_5, window_bounds = array<i64: 1, 4, 2048, 128>}]} {
    %get3A = arith.constant 0 : index
    %get3A_0 = arith.constant 0 : index
    %get3A_1 = arith.constant 0 : index
    %get3A_2 = arith.constant 0 : index
    %get3A_3 = vector.load %arg2[%get3A, %get3A_0, %get3A_1, %get3A_2] : memref<1x4x2048x128xf32, #tpu.memory_space<vmem>>, vector<1x4x2048x128xf32>
    %swap3A = arith.constant 0 : index
    %swap3A_4 = arith.constant 0 : index
    %swap3A_5 = arith.constant 0 : index
    %swap3A_6 = arith.constant 0 : index
    %swap3A_7 = vector.load %arg6[%swap3A, %swap3A_4, %swap3A_5, %swap3A_6] : memref<1x4x2048x128xf32, #tpu.memory_space<vmem>>, vector<1x4x2048x128xf32>
    tpu.vector_store %arg6[%swap3A, %swap3A_4, %swap3A_5, %swap3A_6], %get3A_3 {strides = array<i32>} : memref<1x4x2048x128xf32, #tpu.memory_space<vmem>>, vector<1x4x2048x128xf32>,
    %get3A_8 = arith.constant 0 : index
    %get3A_9 = arith.constant 0 : index
    %get3A_10 = arith.constant 0 : index
    %get3A_11 = arith.constant 0 : index
    %get3A_12 = vector.load %arg3[%get3A_8, %get3A_9, %get3A_10, %get3A_11] : memref<1x4x2048x128xf32, #tpu.memory_space<vmem>>, vector<1x4x2048x128xf32>
    %swap3A_13 = arith.constant 0 : index
    %swap3A_14 = arith.constant 0 : index
    %swap3A_15 = arith.constant 0 : index
    %swap3A_16 = arith.constant 0 : index
    %swap3A_17 = vector.load %arg7[%swap3A_13, %swap3A_14, %swap3A_15, %swap3A_16] : memref<1x4x2048x128xf32, #tpu.memory_space<vmem>>, vector<1x4x2048x128xf32>
    tpu.vector_store %arg7[%swap3A_13, %swap3A_14, %swap3A_15, %swap3A_16], %get3A_12 {strides = array<i32>} : memref<1x4x2048x128xf32, #tpu.memory_space<vmem>>, vector<1x4x2048x128xf32>,
    %get3A_18 = arith.constant 0 : index
    %get3A_19 = arith.constant 0 : index
    %get3A_20 = arith.constant 0 : index
    %get3A_21 = arith.constant 0 : index
    %get3A_22 = vector.load %arg4[%get3A_18, %get3A_19, %get3A_20, %get3A_21] : memref<1x4x16x128xf32, #tpu.memory_space<vmem>>, vector<1x4x16x128xf32>
    %get3A_23 = vector.shape_cast %get3A_22 : vector<1x4x16x128xf32> to vector<4x16x128xf32>
    %swap3A_24 = arith.constant 0 : index
    %swap3A_25 = arith.constant 0 : index
    %swap3A_26 = arith.constant 0 : index
    %swap3A_27 = arith.constant 0 : index
    %swap3A_28 = vector.load %arg6[%swap3A_24, %swap3A_25, %swap3A_26, %swap3A_27] : memref<1x4x2048x128xf32, #tpu.memory_space<vmem>>, vector<1x4x16x128xf32>
    %swap3A_29 = vector.shape_cast %swap3A_28 : vector<1x4x16x128xf32> to vector<4x16x128xf32>
    %swap3A_30 = vector.shape_cast %get3A_23 : vector<4x16x128xf32> to vector<1x4x16x128xf32>
    tpu.vector_store %arg6[%swap3A_24, %swap3A_25, %swap3A_26, %swap3A_27], %swap3A_30 {strides = array<i32>} : memref<1x4x2048x128xf32, #tpu.memory_space<vmem>>, vector<1x4x16x128xf32>,
    %get3A_31 = arith.constant 0 : index
    %get3A_32 = arith.constant 0 : index
    %get3A_33 = arith.constant 0 : index
    %get3A_34 = arith.constant 0 : index
    %get3A_35 = vector.load %arg5[%get3A_31, %get3A_32, %get3A_33, %get3A_34] : memref<1x4x16x128xf32, #tpu.memory_space<vmem>>, vector<1x4x16x128xf32>
    %get3A_36 = vector.shape_cast %get3A_35 : vector<1x4x16x128xf32> to vector<4x16x128xf32>
    %swap3A_37 = arith.constant 0 : index
    %swap3A_38 = arith.constant 0 : index
    %swap3A_39 = arith.constant 0 : index
    %swap3A_40 = arith.constant 0 : index
    %swap3A_41 = vector.load %arg7[%swap3A_37, %swap3A_38, %swap3A_39, %swap3A_40] : memref<1x4x2048x128xf32, #tpu.memory_space<vmem>>, vector<1x4x16x128xf32>
    %swap3A_42 = vector.shape_cast %swap3A_41 : vector<1x4x16x128xf32> to vector<4x16x128xf32>
    %swap3A_43 = vector.shape_cast %get3A_36 : vector<4x16x128xf32> to vector<1x4x16x128xf32>
    tpu.vector_store %arg7[%swap3A_37, %swap3A_38, %swap3A_39, %swap3A_40], %swap3A_43 {strides = array<i32>} : memref<1x4x2048x128xf32, #tpu.memory_space<vmem>>, vector<1x4x16x128xf32>,
    return
  }
  func.func @transform_0(%arg0: i32, %arg1: i32) -> (i32, i32, i32, i32) {
    %c0_i32 = arith.constant 0 : i32
    %c0_i32_0 = arith.constant 0 : i32
    %c0_i32_1 = arith.constant 0 : i32
    return %arg0, %arg1, %c0_i32, %c0_i32_0 : i32, i32, i32, i32
  }
  func.func @transform_1(%arg0: i32, %arg1: i32) -> (i32, i32, i32, i32) {
    %c0_i32 = arith.constant 0 : i32
    %c0_i32_0 = arith.constant 0 : i32
    %c0_i32_1 = arith.constant 0 : i32
    return %arg0, %arg1, %c0_i32, %c0_i32_0 : i32, i32, i32, i32
  }
  func.func @transform_2(%arg0: i32, %arg1: i32) -> (i32, i32, i32, i32) {
    %c0_i32 = arith.constant 0 : i32
    %c0_i32_0 = arith.constant 0 : i32
    %c0_i32_1 = arith.constant 0 : i32
    return %arg0, %arg1, %c0_i32, %c0_i32_0 : i32, i32, i32, i32
  }
  func.func @transform_3(%arg0: i32, %arg1: i32) -> (i32, i32, i32, i32) {
    %c0_i32 = arith.constant 0 : i32
    %c0_i32_0 = arith.constant 0 : i32
    %c0_i32_1 = arith.constant 0 : i32
    return %arg0, %arg1, %c0_i32, %c0_i32_0 : i32, i32, i32, i32
  }
  func.func @transform_4(%arg0: i32, %arg1: i32) -> (i32, i32, i32, i32) {
    %c0_i32 = arith.constant 0 : i32
    %c0_i32_0 = arith.constant 0 : i32
    %c0_i32_1 = arith.constant 0 : i32
    return %arg0, %arg1, %c0_i32, %c0_i32_0 : i32, i32, i32, i32
  }
  func.func @transform_5(%arg0: i32, %arg1: i32) -> (i32, i32, i32, i32) {
    %c0_i32 = arith.constant 0 : i32
    %c0_i32_0 = arith.constant 0 : i32
    %c0_i32_1 = arith.constant 0 : i32
    return %arg0, %arg1, %c0_i32, %c0_i32_0 : i32, i32, i32, i32
  }
}

</mosaic_0001>

<sc_bundles>
// kernel: kernel.4.cloned.1.call-start
scs
__scs_entry_jumppad:
0x0: {  	(pc) =	sbr.rel $0x88, $3  }
0x1: {  	(tag) =	ssettag $0x0;
	lr =	simm.s32 $0x1  }
0x2: {  	[smem:$0x3F9C] =	sst lr;
	_ =	strace $0xD0000000  }
0x3: {  	_ = 	snop  }
0x4: {  	_ = 	snop  }
0x5: {  	_ = 	snop  }
0x6: {  	_ = 	snop  }
0x7: {  	_ = 	snop  }
__scs_overlays_trampoline_lowered:
0x8: {  	[smem:$0x3FAB] =	sst s0  }
0x9: {  	[smem:$0x3FAC] =	sst s1  }
0xa: {  	[smem:$0x3FAD] =	sst s2  }
0xb: {  	[smem:$0x3FAE] =	sst s3  }
0xc: {  	[smem:$0x3FAF] =	sst s4  }
0xd: {  	[smem:$0x3FB0] =	sst s5  }
0xe: {  	[smem:$0x3FB1] =	sst s6  }
0xf: {  	[smem:$0x3FB2] =	sst s7  }
0x10: {  	[smem:$0x3FB3] =	sst s8  }
0x11: {  	[smem:$0x3FB4] =	sst s9;
	s0 =	simm.s32 @!p0 $0x0  }
0x12: {  	s1 =	sld [smem:$0x3F9A];
	s0 =	simm.s32 @p0 $0x1  }
0x13: {  	[smem:$0x3FB5] =	sst s0;
	s0 =	simm.s32 @!p1 $0x0  }
0x14: {  	s2 =	sld [smem:$0x3F99];
	s0 =	simm.s32 @p1 $0x1  }
0x15: {  	[smem:$0x3FB6] =	sst s0;
	s0 =	simm.s32 @!p2 $0x0  }
0x16: {  	s3 =	sld [smem:$0x3FDB];
	s0 =	simm.s32 @p2 $0x1  }
0x17: {  	s4 =	simm.s32 $0x1BF5;
	[smem:$0x3FB8] =	sst s0  }
0x18: {  	s0 =	sld [smem:$0x3F9B];
	_ =	swait.ge [sflag:s4], $0x0  }
0x19: {  	s7 =	sld [smem:$0x3F9C]  }
0x1a: {  	s8 =	sadd.s32 $0xFFFFE003, lr  }
0x1b: {  	s9 =	sadd.s32 $0xFFFFFEF7, lr;
	s5 =	simm.s32 $0xFFFFFFFF;
	p2 =	slt.u32 s8, $0xFFFFF086  }
0x1c: {  	p1 =	slt.u32 s9, $0xF7A;
	s5 =	simm.s32 @!p2 $0x0  }
0x1d: {  	s5 =	simm.s32 @p1 $0x1;
	p0 =	seq.s32 s7, s2  }
0x1e: {  	s7 =	smul.u32 @!p0 $0xF7A, s2;
	p2 =	seq.s32 @!p0 s5, $0x0  }
0x1f: {  	s9 =	smul.u32 $0xF7A, s1;
	s8 =	simm.s32 @!p0 $0x1BF5;
	p2 =	por !p2, p0  }
0x20: {  	[sflag:s8] =	ssyncset.s32 @!p0 $0xFFFFF086;
	s6 =	sadd.s32 @!p0 s3, s7;
	s7 =	simm.s32 @!p0 $0x108  }
0x21: {  	s3 =	sadd.s32 s3, s9;
	s6 =	sadd.s32 @!p0 $0x88, s6;
	s7 =	simm.s32 @p2 $0x1082  }
0x22: {  	[simem:s7], [sflag:s8] =	dma.local @!p0 [hbm:s6], $0xF7A  }
0x23: {  	s9 =	sor.u32 $0xD0000000, s2;
	s6 =	simm.s32 $0x108;
	_ =	swait.ge @!p0 [sflag:s8], $0x0  }
0x24: {  	s3 =	sadd.s32 $0x88, s3;
	s6 =	simm.s32 @!p1 $0x1082;
	[sflag:s4] =	ssyncset.s32 $0xFFFFF086  }
0x25: {  	[simem:s6], [sflag:s4] =	dma.local [hbm:s3], $0xF7A  }
0x26: {  	[smem:$0x3F9C] =	sst s1;
	(tag) =	ssettag s2;
	_ =	strace s9  }
0x27: {  	s1 =	sld [smem:$0x3FAC]  }
0x28: {  	s2 =	sld [smem:$0x3FAD]  }
0x29: {  	s4 =	sld [smem:$0x3FAF]  }
0x2a: {  	p0 =	seq.s32 s5, $0x0;
	s5 =	sld [smem:$0x3FB0]  }
0x2b: {  	s6 =	sld [smem:$0x3FB1]  }
0x2c: {  	s7 =	sld [smem:$0x3FB2]  }
0x2d: {  	s3 =	simm.s32 $0x108;
	s8 =	sld [smem:$0x3FB3]  }
0x2e: {  	s3 =	simm.s32 @!p0 $0x1082;
	s9 =	sld [smem:$0x3FB4]  }
0x2f: {  	lr =	sadd.s32 s0, s3;
	s0 =	sld [smem:$0x3FAB]  }
0x30: {  	s3 =	sld [smem:$0x3FAE]  }
0x31: {  	[smem:$0x3FB7] =	sst s10  }
0x32: {  	s10 =	sld [smem:$0x3FB5];
	_ =	sdelay $0x3  }
0x33: {  	p0 =	seq.s32 s10, $0x1;
	s10 =	sld [smem:$0x3FB7];
	_ =	sdelay $0x3  }
0x34: {  	[smem:$0x3FB7] =	sst s10  }
0x35: {  	s10 =	sld [smem:$0x3FB6];
	_ =	sdelay $0x3  }
0x36: {  	p1 =	seq.s32 s10, $0x1;
	s10 =	sld [smem:$0x3FB7];
	_ =	sdelay $0x3  }
0x37: {  	[smem:$0x3FB7] =	sst s10  }
0x38: {  	s10 =	sld [smem:$0x3FB8]  }
0x39: {  	_ = 	snop;
	(pc) =	sbr.ind lr, $3  }
0x3a: {  	_ = 	snop  }
0x3b: {  	_ = 	snop  }
0x3c: {  	p2 =	seq.s32 s10, $0x1;
	s10 =	sld [smem:$0x3FB7]  }
0x3d: {  	_ =	shalt  }
0x3e: {  	_ =	shalt  }
0x3f: {  	_ =	shalt  }
0x40: {  	_ =	shalt  }
0x41: {  	_ =	shalt  }
0x42: {  	_ =	shalt  }
0x43: {  	_ =	shalt  }
0x44: {  	_ =	shalt  }
0x45: {  	_ =	shalt  }
0x46: {  	_ =	shalt  }
0x47: {  	_ =	shalt  }
0x48: {  	_ =	shalt  }
0x49: {  	_ =	shalt  }
0x4a: {  	_ =	shalt  }
0x4b: {  	_ =	shalt  }
0x4c: {  	_ =	shalt  }
0x4d: {  	_ =	shalt  }
0x4e: {  	_ =	shalt  }
0x4f: {  	_ =	shalt  }
0x50: {  	_ =	shalt  }
0x51: {  	_ =	shalt  }
0x52: {  	_ =	shalt  }
0x53: {  	_ =	shalt  }
0x54: {  	_ =	shalt  }
0x55: {  	_ =	shalt  }
0x56: {  	_ =	shalt  }
0x57: {  	_ =	shalt  }
0x58: {  	_ =	shalt  }
0x59: {  	_ =	shalt  }
0x5a: {  	_ =	shalt  }
0x5b: {  	_ =	shalt  }
0x5c: {  	_ =	shalt  }
0x5d: {  	_ =	shalt  }
0x5e: {  	_ =	shalt  }
0x5f: {  	_ =	shalt  }
0x60: {  	_ =	shalt  }
0x61: {  	_ =	shalt  }
0x62: {  	_ =	shalt  }
0x63: {  	_ =	shalt  }
0x64: {  	_ =	shalt  }
0x65: {  	_ =	shalt  }
0x66: {  	_ =	shalt  }
0x67: {  	_ =	shalt  }
0x68: {  	_ =	shalt  }
0x69: {  	_ =	shalt  }
0x6a: {  	_ =	shalt  }
0x6b: {  	_ =	shalt  }
0x6c: {  	_ =	shalt  }
0x6d: {  	_ =	shalt  }
0x6e: {  	_ =	shalt  }
0x6f: {  	_ =	shalt  }
0x70: {  	_ =	shalt  }
0x71: {  	_ =	shalt  }
0x72: {  	_ =	shalt  }
0x73: {  	_ =	shalt  }
0x74: {  	_ =	shalt  }
0x75: {  	_ =	shalt  }
0x76: {  	_ =	shalt  }
0x77: {  	_ =	shalt  }
0x78: {  	_ =	shalt  }
0x79: {  	_ =	shalt  }
0x7a: {  	_ =	shalt  }
0x7b: {  	_ =	shalt  }
0x7c: {  	_ =	shalt  }
0x7d: {  	_ =	shalt  }
0x7e: {  	_ =	shalt  }
0x7f: {  	_ =	shalt  }
0x80: {  	_ =	shalt  }
0x81: {  	_ =	shalt  }
0x82: {  	_ =	shalt  }
0x83: {  	_ =	shalt  }
0x84: {  	_ =	shalt  }
0x85: {  	_ =	shalt  }
0x86: {  	_ =	shalt  }
0x87: {  	_ =	shalt  }
.Lfunc_end0:
.L_simem_size_0:
called_computation_lowered:
.L_overlay_start_0:
0x88: {  	s2 =	sld [smem:$0x3FD9]  }
0x89: {  	s3 =	sld [smem:$0x3FFE];
	_ =	sdelay $0x1  }
0x8a: {  	s1 =	srdreg.scid  }
0x8b: {  	s0 =	sand.u32 $0x1, s1  }
0x8c: {  	s14 =	sshll.u32 s0, $0xA;
	s2 =	sadd.s32 s3, s2  }
0x8d: {  	s2 =	sadd.s32 s2, s14  }
0x8e: {  	[smem:$0x3FC3] =	sst s2  }
0x8f: {  	_ = 	snop  }
0x90: {  	s2 =	sld [smem:$0x3FC8]  }
0x91: {  	s15 =	sld [smem:$0x3FD0]  }
0x92: {  	s4 =	sld [smem:$0x3FC7]  }
0x93: {  	s5 =	sld [smem:$0x3FC6]  }
0x94: {  	s7 =	simm.s32 $0xA;
	s8 =	simm.s32 $0x10;
	s6 =	sld [smem:$0x3FC5]  }
0x95: {  	[smem:s8], [sflag:s7] =	dma.local [hbm:s15], $0x1  }
0x96: {  	_ =	swait.eq [sflag:s7], $0x1  }
0x97: {  	[sflag:s7] =	ssyncset.done $0x0  }
0x98: {  	s16 =	sld [smem:$0x10];
	[sflag:s7] =	ssyncadd.s32 $0xFFFFFFFF  }
0x99: {  	s17 =	sld [smem:$0x11];
	(tm) =	ssettm $0x1  }
0x9a: {  	s18 =	sld [smem:$0x3FFB];
	_ =	sdelay $0x3  }
0x9b: {  	_ =	strace s18  }
0x9c: {  	s8 =	sld [smem:$0x3FFC];
	_ =	sdelay $0x3  }
0x9d: {  	_ =	strace s8  }
0x9e: {  	s8 =	sld [smem:$0x3FFD];
	_ =	sdelay $0x3  }
0x9f: {  	_ =	strace s8  }
0xa0: {  	_ =	strace $0x8FFFFFFF  }
0xa1: {  	s19 =	sld [smem:$0x3FDB];
	_ =	sdelay $0x1  }
0xa2: {  	s9 =	simm.s32 $_scs_section_size  }
0xa3: {  	s10 =	simm.s32 $_size__tile_overlayer_lowered;
	s11 =	simm.s32 $_tile_overlayer_lowered  }
0xa4: {  	s22 =	simm.s32 $0x1BFF;
	s21 =	sshll.u32 s11, $0x1;
	s8 =	sadd.s32 s9, s19  }
0xa5: {  	s12 =	simm.s32 $0x0;
	s20 =	sshll.u32 s10, $0x1;
	s10 =	sadd.s32 s21, s8  }
0xa6: {  	[timem:s12], [sflag:s22] =	dma.local [hbm:s10], s20  }
0xa7: {  	_ =	swait.ge [sflag:s22], s20  }
0xa8: {  	s9 =	ssub.s32 $0x0, s20;
	[sflag:s22] =	ssyncset.done $0x0  }
0xa9: {  	[sflag:s22] =	ssyncadd.s32 s9;
	_ =	sdelay $0x1  }
0xaa: {  	s23 =	simm.s32 $0x1B8B  }
0xab: {  	_ =	swait.ge [sflag:s23], $0x1  }
0xac: {  	[sflag:s23] =	ssyncset.done $0x0  }
0xad: {  	s25 =	simm.s32 $0x1B8E;
	s24 =	sld [smem:$0x3FFE];
	[sflag:s23] =	ssyncadd.s32 $0xFFFFFFFF  }
0xae: {  	s26 =	simm.s32 $execute0_lowered;
	[smem:$0x3FD2] =	sst s25  }
0xaf: {  	s10 =	sshll.u32 s26, $0x1;
	_ =	strace $0x80000046;
	[dreg:$0x1] =	wrdreg $0xFFFFFFFF  }
0xb0: {  	s28 =	simm.s32 $_size_execute0_lowered;
	s8 =	sadd.s32 s8, s10;
	[dreg:$0x0] =	wrdreg $0x0  }
0xb1: {  	s10 =	sshll.u32 s28, $0x1;
	[dreg:$0x2] =	wrdreg s8  }
0xb2: {  	[dreg:$0x3] =	wrdreg s10  }
0xb3: {  	[dreg:$0x4] =	wrdreg $0xC0  }
0xb4: {  	_ =	task [dreg:s12], $0x5FFFF  }
0xb5: {  	[dreg:$0x1] =	wrdreg $0xFFFFFFFF  }
0xb6: {  	[dreg:$0x0] =	wrdreg $0x60  }
0xb7: {  	[dreg:$0x2] =	wrdreg s24  }
0xb8: {  	[dreg:$0x3] =	wrdreg s2  }
0xb9: {  	[dreg:$0x4] =	wrdreg s4  }
0xba: {  	[dreg:$0x5] =	wrdreg s5  }
0xbb: {  	[dreg:$0x6] =	wrdreg s6  }
0xbc: {  	[dreg:$0x7] =	wrdreg s17  }
0xbd: {  	[dreg:$0x8] =	wrdreg s16  }
0xbe: {  	[dreg:$0x9] =	wrdreg $0x9  }
0xbf: {  	_ =	task.clear_ibuf [dreg:s12], $0xAFFFF;
	_ =	strace $0x90000046  }
0xc0: {  	s29 =	simm.s32 $0x9;
	_ =	strace $0x80000048  }
0xc1: {  	_ =	swait.ge [sflag:s29], $0x1  }
0xc2: {  	[sflag:s29] =	ssyncadd.s32 $0xFFFFFFFF  }
0xc3: {  	_ =	strace $0x90000048  }
0xc4: {  	_ =	sfence  }
0xc5: {  	s30 =	sld [smem:$0x0];
	_ =	sdelay $0x2  }
0xc6: {  	s31 =	sshll.u32 s1, $0xD;
	s1 =	sshrl.u32 s1, $0x2  }
0xc7: {  	s3 =	sand.u32 $0x4000, s31;
	s1 =	sadd.s32 s1, s30  }
0xc8: {  	s0 =	sor.u32 s3, s0;
	s1 =	sshll.u32 s1, $0x11  }
0xc9: {  	s0 =	sor.u32 s1, s0  }
0xca: {  	s0 =	sadd.s32 $0x8F2B, s0  }
0xcb: {  	[sflag:s0] =	ssyncadd.remote.s32 $0x1  }
0xcc: {  	_ =	sfence.sel $0xFFFF  }
0xcd: {  	[dreg:$0x0] =	wrdreg $0xFFFFFFFF;
	(pc) =	sbr.abs _section_cstart, $3  }
0xce: {  	[dreg:$0x1] =	wrdreg $0xFFFFFFFF  }
0xcf: {  	_ =	task.clear_ibuf [dreg:s12], $0x2FFFF;
	_ =	strace $0x9FFFFFFF  }
0xd0: {  	(tm) =	ssettm $0x7FFFFFFF  }
0xd1: {  	_ =	shalt  }
tec
execute0_lowered:
.L_overlay_start_1:
0x0: {  	(tag) =	ssettag $0x1  }
0x1: {  	s24 =	rddreg [dreg:$0x0]  }
0x2: {  	s0 =	rddreg [dreg:$0x1]  }
0x3: {  	s1 =	rddreg [dreg:$0x2]  }
0x4: {  	s17 =	rddreg [dreg:$0x3]  }
0x5: {  	s19 =	rddreg [dreg:$0x4];
	s2 =	srdreg.scid  }
0x6: {  	[dreg:$0x8] =	wrdreg s0;
	s0 =	sand.u32 $0x1, s2  }
0x7: {  	[dreg:$0x9] =	wrdreg s1;
	s1 =	stileid.u32;
	s25 =	sshll.u32 s0, $0x4  }
0x8: {  	s10 =	rddreg [dreg:$0x5];
	s4 =	simm.s32 $0x0;
	s22 =	sor.u32 s1, s25  }
0x9: {  	s6 =	simm.s32 $0x180;
	[smem:$0x7FF] =	sst s4;
	s16 =	sshll.u32 s22, $0x11  }
0xa: {  	s2 =	rddreg [dreg:$0x6];
	_ =	strace $0x80000047;
	s5 =	sadd.s32 s17, s16  }
0xb: {  	[tilespmem:s6], [sflag:$0x1] =	stream.linear.gather [hbm4b:s5+s4], $0x800, $0x38;
	[tilespmem:$0x5180] =	vst v63  }
0xc: {  	s8 =	simm.s32 $0x2180;
	s7 =	sadd.s32 s19, s16;
	s11 =	sor.u32 $0x8000, s16  }
0xd: {  	[tilespmem:s8], [sflag:$0x1] =	stream.linear.gather [hbm4b:s7+s4], $0x800, $0x38;
	[tilespmem:$0x5180] =	vst v63  }
0xe: {  	s3 =	simm.s32 $0x980;
	s9 =	sadd.s32 s17, s11  }
0xf: {  	[tilespmem:s3], [sflag:$0x1] =	stream.linear.gather [hbm4b:s9+s4], $0x800, $0x38;
	[tilespmem:$0x5180] =	vst v63  }
0x10: {  	s12 =	simm.s32 $0x2980;
	s15 =	sor.u32 $0x10000, s16;
	s11 =	sadd.s32 s19, s11  }
0x11: {  	[tilespmem:s12], [sflag:$0x1] =	stream.linear.gather [hbm4b:s11+s4], $0x800, $0x38;
	[tilespmem:$0x5180] =	vst v63  }
0x12: {  	s14 =	simm.s32 $0x1180;
	s13 =	sadd.s32 s17, s15  }
0x13: {  	[tilespmem:s14], [sflag:$0x1] =	stream.linear.gather [hbm4b:s13+s4], $0x800, $0x38;
	[tilespmem:$0x5180] =	vst v63  }
0x14: {  	s20 =	sor.u32 $0x18000, s16;
	s16 =	simm.s32 $0x3180;
	s15 =	sadd.s32 s19, s15  }
0x15: {  	[tilespmem:s16], [sflag:$0x1] =	stream.linear.gather [hbm4b:s15+s4], $0x800, $0x38;
	[tilespmem:$0x5180] =	vst v63  }
0x16: {  	s18 =	simm.s32 $0x1980;
	s17 =	sadd.s32 s17, s20  }
0x17: {  	[tilespmem:s18], [sflag:$0x1] =	stream.linear.gather [hbm4b:s17+s4], $0x800, $0x38;
	[tilespmem:$0x5180] =	vst v63  }
0x18: {  	s21 =	simm.s32 $0x3980;
	s19 =	sadd.s32 s19, s20;
	s20 =	simm.s32 $0x1  }
0x19: {  	[tilespmem:s21], [sflag:$0x1] =	stream.linear.gather [hbm4b:s19+s4], $0x800, $0x38;
	[tilespmem:$0x5180] =	vst v63  }
0x1a: {  	_ =	swait.ge [sflag:s20], $0x800  }
0x1b: {  	[sflag:s20] =	ssyncset.done $0x0  }
0x1c: {  	[sflag:s20] =	ssyncadd.s32 $0xFFFFF800  }
0x1d: {  	_ =	swait.ge [sflag:s20], $0x800  }
0x1e: {  	[sflag:s20] =	ssyncset.done $0x0  }
0x1f: {  	[sflag:s20] =	ssyncadd.s32 $0xFFFFF800  }
0x20: {  	_ =	swait.ge [sflag:s20], $0x800  }
0x21: {  	[sflag:s20] =	ssyncset.done $0x0  }
0x22: {  	[sflag:s20] =	ssyncadd.s32 $0xFFFFF800  }
0x23: {  	_ =	swait.ge [sflag:s20], $0x800  }
0x24: {  	[sflag:s20] =	ssyncset.done $0x0  }
0x25: {  	[sflag:s20] =	ssyncadd.s32 $0xFFFFF800  }
0x26: {  	_ =	swait.ge [sflag:s20], $0x800  }
0x27: {  	[sflag:s20] =	ssyncset.done $0x0  }
0x28: {  	[sflag:s20] =	ssyncadd.s32 $0xFFFFF800  }
0x29: {  	_ =	swait.ge [sflag:s20], $0x800  }
0x2a: {  	[sflag:s20] =	ssyncset.done $0x0  }
0x2b: {  	[sflag:s20] =	ssyncadd.s32 $0xFFFFF800  }
0x2c: {  	_ =	swait.ge [sflag:s20], $0x800  }
0x2d: {  	[sflag:s20] =	ssyncset.done $0x0  }
0x2e: {  	[sflag:s20] =	ssyncadd.s32 $0xFFFFF800  }
0x2f: {  	_ =	swait.ge [sflag:s20], $0x800  }
0x30: {  	s23 =	sshll.u32 s22, $0xA;
	[sflag:s20] =	ssyncset.done $0x0  }
0x31: {  	s22 =	sadd.s32 s10, s23;
	[sflag:s20] =	ssyncadd.s32 $0xFFFFF800  }
0x32: {  	[hbm4b:s22+s4] =	stream.linear.scatter [tilespmem:s6], [sflag:$0x1], $0x2000, $0x38;
	[tilespmem:$0x5180] =	vst v63  }
0x33: {  	s23 =	sadd.s32 s2, s23  }
0x34: {  	[hbm4b:s23+s4] =	stream.linear.scatter [tilespmem:s8], [sflag:$0x1], $0x2000, $0x38;
	[tilespmem:$0x5180] =	vst v63  }
0x35: {  	_ =	swait.ge [sflag:s20], $0x2000  }
0x36: {  	[sflag:s20] =	ssyncset.done $0x0  }
0x37: {  	[sflag:s20] =	ssyncadd.s32 $0xFFFFE000  }
0x38: {  	_ =	swait.ge [sflag:s20], $0x2000  }
0x39: {  	[sflag:s20] =	ssyncset.done $0x0  }
0x3a: {  	s24 =	sadd.s32 s25, s24;
	[sflag:s20] =	ssyncadd.s32 $0xFFFFE000  }
0x3b: {  	s25 =	simm.s32 $0x2;
	s24 =	sadd.s32 $0xC00, s24;
	[bflag:$0x0] =	sbarrier.arrive $0xFFFF  }
0x3c: {  	[tilespmem:s4], [sflag:$0x2] =	stream.linear.gather [hbm4b:s24+s4], $0x80, $0x38;
	[tilespmem:$0x5180] =	vst v63  }
0x3d: {  	_ =	swait.ge [sflag:s25], $0x80  }
0x3e: {  	[sflag:s25] =	ssyncset.done $0x0  }
0x3f: {  	[sflag:s25] =	ssyncadd.s32 $0xFFFFFF80  }
0x40: {  	v0 =	vlaneseq.u32;
	v1 =	vld [tilespmem:$0x0]  }
0x41: {  	v0 =	vand.u32 $0x3, v0;
	s26 =	sshll.u32 s0, $0x2  }
0x42: {  	v0 =	vmul.u32 $0x10, v0;
	v2 =	vmov s26  }
0x43: {  	v2 =	vshll.u32 v2, $0x4  }
0x44: {  	v0 =	vor.u32 v0, v2  }
0x45: {  	v2 =	vmov s1;
	v3 =	vadd.s32 v0, v1  }
0x46: {  	v2 =	vor.u32 $0xFFFFFFF0, v2;
	v1 =	vor.u32 s1, v0;
	v3 =	vshll.u32 v3, $0x4  }
0x47: {  	s28 =	simm.s32 $0x80;
	[tilespmem:$0x80] =	vst v1;
	v3 =	vadd.s32 v2, v3  }
0x48: {  	s29 =	simm.s32 $0x4180;
	s26 =	simm.s32 $0x10;
	s30 =	rddreg [dreg:$0x8];
	[tilespmem:$0x100] =	vst v3  }
0x49: {  	[tilespmem:s29], [sflag:$0x1] =	stream.indirect.gather [hbm4b:s30+s26], $0x80, s28, s26, $0xb8;
	[tilespmem:$0x5180] =	vst v63  }
0x4a: {  	s31 =	rddreg [dreg:$0x9];
	s30 =	simm.s32 $0x4980  }
0x4b: {  	[tilespmem:s30], [sflag:$0x1] =	stream.indirect.gather [hbm4b:s31+s26], $0x80, s28, s26, $0xb8;
	[tilespmem:$0x5180] =	vst v63  }
0x4c: {  	_ =	swait.ge [sflag:s20], $0x800  }
0x4d: {  	[sflag:s20] =	ssyncset.done $0x0  }
0x4e: {  	s0 =	ssub.s32 $0x2, s0;
	[sflag:s20] =	ssyncadd.s32 $0xFFFFF800  }
0x4f: {  	s3 =	sshrl.u32 s0, $0x1;
	_ =	swait.ge [sflag:s20], $0x800  }
0x50: {  	s0 =	ssub.s32 s0, s3;
	[sflag:s20] =	ssyncset.done $0x0  }
0x51: {  	s0 =	smax.u32 s0, $0x1;
	s31 =	simm.s32 $0x100;
	[sflag:s20] =	ssyncadd.s32 $0xFFFFF800  }
0x52: {  	[hbm4b:s10+s26] =	stream.indirect.scatter [tilespmem:s29], [sflag:$0x1], $0x80, s31, s26, $0xb8;
	[tilespmem:$0x5180] =	vst v63  }
0x53: {  	p0 =	sne.s32 s0, $0x1  }
0x54: {  	[hbm4b:s2+s26] =	stream.indirect.scatter [tilespmem:s30], [sflag:$0x1], $0x80, s31, s26, $0xb8;
	[tilespmem:$0x5180] =	vst v63  }
.Ltmp0:
0x55: {  	_ =	swait.ge [sflag:s20], $0x800;
	(pc) =	sbr.rel @!p0 .LBB2_3-.Ltmp0, $4  }
0x56: {  	[sflag:s20] =	ssyncset.done $0x0  }
0x57: {  	[sflag:s20] =	ssyncadd.s32 $0xFFFFF800  }
0x58: {  	_ =	swait.ge [sflag:s20], $0x800  }
0x59: {  	s0 =	sadd.s32 $0xFFFFFFFF, s0;
	[sflag:s20] =	ssyncset.done $0x0  }
0x5a: {  	s3 =	smov.u32 s10;
	s10 =	smov.u32 s2  }
.LBB2_2:
0x5b: {  	[sflag:s20] =	ssyncadd.s32 $0xFFFFF800  }
0x5c: {  	[tilespmem:s6], [sflag:$0x1] =	stream.linear.gather [hbm4b:s5+s4], $0x800, $0x38;
	[tilespmem:$0x5180] =	vst v63  }
0x5d: {  	_ = 	snop  }
0x5e: {  	[tilespmem:s8], [sflag:$0x1] =	stream.linear.gather [hbm4b:s7+s4], $0x800, $0x38;
	[tilespmem:$0x5180] =	vst v63  }
0x5f: {  	s1 =	simm.s32 $0x980  }
0x60: {  	[tilespmem:s1], [sflag:$0x1] =	stream.linear.gather [hbm4b:s9+s4], $0x800, $0x38;
	[tilespmem:$0x5180] =	vst v63  }
0x61: {  	_ = 	snop  }
0x62: {  	[tilespmem:s12], [sflag:$0x1] =	stream.linear.gather [hbm4b:s11+s4], $0x800, $0x38;
	[tilespmem:$0x5180] =	vst v63  }
0x63: {  	_ = 	snop  }
0x64: {  	[tilespmem:s14], [sflag:$0x1] =	stream.linear.gather [hbm4b:s13+s4], $0x800, $0x38;
	[tilespmem:$0x5180] =	vst v63  }
0x65: {  	_ = 	snop  }
0x66: {  	[tilespmem:s16], [sflag:$0x1] =	stream.linear.gather [hbm4b:s15+s4], $0x800, $0x38;
	[tilespmem:$0x5180] =	vst v63  }
0x67: {  	_ = 	snop  }
0x68: {  	[tilespmem:s18], [sflag:$0x1] =	stream.linear.gather [hbm4b:s17+s4], $0x800, $0x38;
	[tilespmem:$0x5180] =	vst v63  }
0x69: {  	_ = 	snop  }
0x6a: {  	[tilespmem:s21], [sflag:$0x1] =	stream.linear.gather [hbm4b:s19+s4], $0x800, $0x38;
	[tilespmem:$0x5180] =	vst v63  }
0x6b: {  	_ =	swait.ge [sflag:s20], $0x800  }
0x6c: {  	[sflag:s20] =	ssyncset.done $0x0  }
0x6d: {  	[sflag:s20] =	ssyncadd.s32 $0xFFFFF800  }
0x6e: {  	_ =	swait.ge [sflag:s20], $0x800  }
0x6f: {  	[sflag:s20] =	ssyncset.done $0x0  }
0x70: {  	[sflag:s20] =	ssyncadd.s32 $0xFFFFF800  }
0x71: {  	_ =	swait.ge [sflag:s20], $0x800  }
0x72: {  	[sflag:s20] =	ssyncset.done $0x0  }
0x73: {  	[sflag:s20] =	ssyncadd.s32 $0xFFFFF800  }
0x74: {  	_ =	swait.ge [sflag:s20], $0x800  }
0x75: {  	[sflag:s20] =	ssyncset.done $0x0  }
0x76: {  	[sflag:s20] =	ssyncadd.s32 $0xFFFFF800  }
0x77: {  	_ =	swait.ge [sflag:s20], $0x800  }
0x78: {  	[sflag:s20] =	ssyncset.done $0x0  }
0x79: {  	[sflag:s20] =	ssyncadd.s32 $0xFFFFF800  }
0x7a: {  	_ =	swait.ge [sflag:s20], $0x800  }
0x7b: {  	[sflag:s20] =	ssyncset.done $0x0  }
0x7c: {  	[sflag:s20] =	ssyncadd.s32 $0xFFFFF800  }
0x7d: {  	_ =	swait.ge [sflag:s20], $0x800  }
0x7e: {  	[sflag:s20] =	ssyncset.done $0x0  }
0x7f: {  	[sflag:s20] =	ssyncadd.s32 $0xFFFFF800  }
0x80: {  	_ =	swait.ge [sflag:s20], $0x800  }
0x81: {  	[sflag:s20] =	ssyncset.done $0x0  }
0x82: {  	[sflag:s20] =	ssyncadd.s32 $0xFFFFF800  }
0x83: {  	[hbm4b:s22+s4] =	stream.linear.scatter [tilespmem:s6], [sflag:$0x1], $0x2000, $0x38;
	[tilespmem:$0x5180] =	vst v63  }
0x84: {  	_ = 	snop  }
0x85: {  	[hbm4b:s23+s4] =	stream.linear.scatter [tilespmem:s8], [sflag:$0x1], $0x2000, $0x38;
	[tilespmem:$0x5180] =	vst v63  }
0x86: {  	_ =	swait.ge [sflag:s20], $0x2000  }
0x87: {  	[sflag:s20] =	ssyncset.done $0x0  }
0x88: {  	[sflag:s20] =	ssyncadd.s32 $0xFFFFE000  }
0x89: {  	_ =	swait.ge [sflag:s20], $0x2000  }
0x8a: {  	[sflag:s20] =	ssyncset.done $0x0  }
0x8b: {  	[sflag:s20] =	ssyncadd.s32 $0xFFFFE000  }
0x8c: {  	[bflag:$0x0] =	sbarrier.arrive $0xFFFF  }
0x8d: {  	[tilespmem:s4], [sflag:$0x2] =	stream.linear.gather [hbm4b:s24+s4], $0x80, $0x38;
	[tilespmem:$0x5180] =	vst v63  }
0x8e: {  	_ =	swait.ge [sflag:s25], $0x80  }
0x8f: {  	[sflag:s25] =	ssyncset.done $0x0  }
0x90: {  	[sflag:s25] =	ssyncadd.s32 $0xFFFFFF80  }
0x91: {  	v3 =	vld [tilespmem:$0x0];
	_ =	sdelay $0x4  }
0x92: {  	v3 =	vadd.s32 v0, v3  }
0x93: {  	v3 =	vshll.u32 v3, $0x4  }
0x94: {  	[tilespmem:$0x80] =	vst v1;
	v3 =	vadd.s32 v2, v3  }
0x95: {  	s1 =	rddreg [dreg:$0x8];
	[tilespmem:$0x100] =	vst v3  }
0x96: {  	[tilespmem:s29], [sflag:$0x1] =	stream.indirect.gather [hbm4b:s1+s26], $0x80, s28, s26, $0xb8;
	[tilespmem:$0x5180] =	vst v63  }
0x97: {  	s2 =	rddreg [dreg:$0x9]  }
0x98: {  	[tilespmem:s30], [sflag:$0x1] =	stream.indirect.gather [hbm4b:s2+s26], $0x80, s28, s26, $0xb8;
	[tilespmem:$0x5180] =	vst v63  }
0x99: {  	_ =	swait.ge [sflag:s20], $0x800  }
0x9a: {  	[sflag:s20] =	ssyncset.done $0x0  }
0x9b: {  	[sflag:s20] =	ssyncadd.s32 $0xFFFFF800  }
0x9c: {  	_ =	swait.ge [sflag:s20], $0x800  }
0x9d: {  	[sflag:s20] =	ssyncset.done $0x0  }
0x9e: {  	[sflag:s20] =	ssyncadd.s32 $0xFFFFF800  }
0x9f: {  	[hbm4b:s3+s26] =	stream.indirect.scatter [tilespmem:s29], [sflag:$0x1], $0x80, s31, s26, $0xb8;
	[tilespmem:$0x5180] =	vst v63  }
0xa0: {  	p0 =	sne.s32 s0, $0x1  }
0xa1: {  	[hbm4b:s10+s26] =	stream.indirect.scatter [tilespmem:s30], [sflag:$0x1], $0x80, s31, s26, $0xb8;
	[tilespmem:$0x5180] =	vst v63  }
.Ltmp1:
0xa2: {  	_ =	swait.ge [sflag:s20], $0x800;
	(pc) =	sbr.rel @p0 .LBB2_2-.Ltmp1, $4  }
0xa3: {  	[sflag:s20] =	ssyncset.done $0x0  }
0xa4: {  	[sflag:s20] =	ssyncadd.s32 $0xFFFFF800  }
0xa5: {  	_ =	swait.ge [sflag:s20], $0x800  }
0xa6: {  	s0 =	sadd.s32 $0xFFFFFFFF, s0;
	[sflag:s20] =	ssyncset.done $0x0  }
.LBB2_3:
0xa7: {  	[sflag:s20] =	ssyncadd.s32 $0xFFFFF800  }
0xa8: {  	_ =	sfence.sel $0x180000  }
0xa9: {  	[bflag:$0x0] =	sbarrier.arrive $0xFFFF  }
0xaa: {  	_ =	strace $0x90000047  }
0xab: {  	s0 =	stileid.u32;
	[bflag:$0x2] =	sbarrier.arrive $0xFFFF  }
0xac: {  	p0 =	sne.s32 s0, $0x0;
	s0 =	rddreg [dreg:$0x7]  }
0xad: {  	s0 =	sadd.s32 @!p0 $0x100000, s0  }
0xae: {  	[sflag:s0] =	ssyncadd.tile.s32 @!p0 $0x1;
	_ =	shalt  }
.Lfunc_end2:
_tile_overlayer_lowered:
.L_overlay_start_2:
0xaf: {  	(tag) =	ssettag $0x2  }
0xb0: {  	s0 =	rddreg [dreg:$0x0];
	s2 =	stileid.u32  }
0xb1: {  	s1 =	rddreg [dreg:$0x1];
	p0 =	sne.s32 s2, $0x0  }
0xb2: {  	s3 =	rddreg [dreg:$0x2];
	[bflag:$0x3] =	sbarrier.arrive $0xFFFF;
	s2 =	simm.s32 @!p0 $0x1C02  }
0xb3: {  	[timem:s3], [sflag:s2] =	dma.local @!p0 [hbm:s0], s1  }
0xb4: {  	s0 =	simm.s32 @!p0 $0x2  }
0xb5: {  	_ =	swait.ge @!p0 [sflag:s0], s1  }
0xb6: {  	s1 =	ssub.s32 @!p0 $0x0, s1;
	[sflag:s0] =	ssyncset.done @!p0 $0x0  }
0xb7: {  	[sflag:s0] =	ssyncadd.s32 @!p0 s1  }
0xb8: {  	[bflag:$0x3] =	sbarrier.arrive $0xFFFF  }
0xb9: {  	_ =	shalt  }

</sc_bundles>
